<compile_context>
chip_gen: v7x
topology: tpu7x:2x2x1
jax: 0.10.2.dev20260603
libtpu: 0.0.44.dev20260713+nightly
codegen_flags: <defaults>
</compile_context>

<pallas_src>
import functools

import jax
import jax.numpy as jnp
from jax import lax
from jax.experimental import pallas as pl
from jax.experimental.pallas import tpu as pltpu
from jax.experimental.pallas import tpu_sc as plsc

EMBED_DIM = 64
NUM_WORKERS = 32
NBUF = 4


@functools.lru_cache(maxsize=None)
def _make_sc_kernel(batch: int, seq: int):
    bat_per_w = batch // NUM_WORKERS
    n_groups = bat_per_w // NBUF
    half = seq // 2
    mesh = plsc.VectorSubcoreMesh(core_axis_name="c", subcore_axis_name="s")

    @functools.partial(
        pl.kernel,
        mesh=mesh,
        compiler_params=pltpu.CompilerParams(use_tc_tiling_on_sc=False),
        out_type=jax.ShapeDtypeStruct((batch, half, 2 * EMBED_DIM), jnp.float32),
        scratch_types=[
            pltpu.VMEM((bat_per_w, 2, half), jnp.int32),
            pltpu.VMEM((2, half, EMBED_DIM), jnp.float32),
        ]
        + [pltpu.VMEM((2, half, EMBED_DIM), jnp.float32) for _ in range(NBUF)]
        + [pltpu.SemaphoreType.DMA for _ in range(2 * NBUF)],
    )
    def k(ids_hbm, tok_hbm, pos_hbm, out_hbm, idx_v, pos_v, *rest):
        bufs = rest[:NBUF]
        sg = rest[NBUF : 2 * NBUF]
        so = rest[2 * NBUF : 3 * NBUF]
        wid = lax.axis_index("s") * 2 + lax.axis_index("c")
        bat0 = wid * bat_per_w
        pltpu.sync_copy(pos_hbm, pos_v)
        pltpu.sync_copy(ids_hbm.at[pl.ds(bat0, bat_per_w)], idx_v)

        def gather_start(b, g):
            pltpu.async_copy(tok_hbm.at[idx_v.at[g, 0]], bufs[b].at[0], sg[b])
            pltpu.async_copy(tok_hbm.at[idx_v.at[g, 1]], bufs[b].at[1], sg[b])

        def gather_wait(b, g):
            pltpu.make_async_copy(
                tok_hbm.at[idx_v.at[g, 0]], bufs[b].at[0], sg[b]
            ).wait()
            pltpu.make_async_copy(
                tok_hbm.at[idx_v.at[g, 1]], bufs[b].at[1], sg[b]
            ).wait()

        def out_start(b, g):
            pltpu.async_copy(
                bufs[b].at[0], out_hbm.at[bat0 + g, :, pl.ds(0, EMBED_DIM)], so[b]
            )
            pltpu.async_copy(
                bufs[b].at[1],
                out_hbm.at[bat0 + g, :, pl.ds(EMBED_DIM, EMBED_DIM)],
                so[b],
            )

        def out_wait(b, g):
            pltpu.make_async_copy(
                bufs[b].at[0], out_hbm.at[bat0 + g, :, pl.ds(0, EMBED_DIM)], so[b]
            ).wait()
            pltpu.make_async_copy(
                bufs[b].at[1],
                out_hbm.at[bat0 + g, :, pl.ds(EMBED_DIM, EMBED_DIM)],
                so[b],
            ).wait()

        for b in range(NBUF):
            gather_start(b, b)

        def group_body(i, carry):
            go = i * NBUF
            for b in range(NBUF):
                g = go + b
                gather_wait(b, g)

                def add_body(r, c2, b=b):
                    for eo in range(2):
                        for c in range(EMBED_DIM // 16):
                            sl = pl.ds(c * 16, 16)
                            plsc.addupdate(
                                bufs[b].at[eo, r, sl], pos_v[eo, r, sl]
                            )
                    return c2

                lax.fori_loop(0, half, add_body, None)
                out_start(b, g)

            @pl.when(i < n_groups - 1)
            def _():
                for b in range(NBUF):
                    g = go + b
                    out_wait(b, g)
                    gather_start(b, g + NBUF)

            return carry

        lax.fori_loop(0, n_groups, group_body, None)
        for b in range(NBUF):
            out_wait(b, bat_per_w - NBUF + b)

    return k


@jax.jit
def kernel(input_ids, token_table, position_table):
    batch, seq = input_ids.shape
    vocab = token_table.shape[0]
    half = seq // 2
    ids2 = input_ids.astype(jnp.int32) * 2
    ids_eo = ids2.reshape(batch, half, 2).transpose(0, 2, 1)
    tok2 = jnp.pad(token_table, ((0, 0), (0, EMBED_DIM))).reshape(
        2 * vocab, EMBED_DIM
    )
    posf = position_table[:seq].astype(jnp.float32)
    pos = jnp.stack([posf[0::2], posf[1::2]], axis=0)
    out = _make_sc_kernel(batch, seq)(ids_eo, tok2, pos)
    return out.reshape(batch, seq, EMBED_DIM)

# --- scband reference (transcript-rebuilt; emitter-appended) ---
"""Pipeline reference for scband-embedding-21715354648659 (READ-ONLY COPY).

The authoritative reference and input builder live on the scoring server;
editing this copy changes nothing except your own understanding.
"""

import jax, jax.numpy as jnp
import numpy as np

VOCAB_SIZE = 1000000
EMBED_DIM = 64
MAX_LEN = 200
BATCH = 4096
SEQ_LEN = 200


def setup_inputs(seed: int = 0) -> dict:
    key = jax.random.key(seed)
    k_ids, k_tok, k_pos = jax.random.split(key, 3)
    input_ids = jax.random.randint(k_ids, (BATCH, SEQ_LEN), 0, VOCAB_SIZE, dtype=jnp.int64 if jax.config.jax_enable_x64 else jnp.int32)
    token_table = jax.random.normal(k_tok, (VOCAB_SIZE, EMBED_DIM), dtype=jnp.float32) * 0.02
    position_table = jax.random.normal(k_pos, (MAX_LEN, EMBED_DIM), dtype=jnp.float32) * 0.02
    return {"input_ids": input_ids, "token_table": token_table, "position_table": position_table}


def reference(input_ids, token_table, position_table):
    # length = shape(input_ids)[-1]
    length = input_ids.shape[-1]
    # position_ids = range(0, length), expanded to [1, length]
    position_ids = jnp.arange(0, length)[None, :]
    # token embedding lookup (gather)
    token_embeddings = jnp.take(token_table, input_ids, axis=0)
    # position embedding lookup (gather), broadcast over batch
    position_embeddings = jnp.take(position_table, position_ids, axis=0)
    return token_embeddings + position_embeddings

if __name__ == "__main__":
    import jax
    _d = setup_inputs()
    print(jax.jit(kernel)(*tuple(_d.values())))

</pallas_src>

<mosaic_0001>
#map = affine_map<(d0, d1) -> (0, 0, 0)>
#map1 = affine_map<(d0, d1) -> (0, 0)>
module attributes {stable_mosaic.version = 14 : i64} {
  func.func @k(%arg0: i32, %arg1: i32, %arg2: memref<4096x2x100xi32, #tpu.memory_space<hbm>>, %arg3: memref<2000000x64xf32, #tpu.memory_space<hbm>>, %arg4: memref<2x100x64xf32, #tpu.memory_space<hbm>>, %arg5: memref<4096x100x128xf32, #tpu.memory_space<hbm>>, %arg6: memref<128x2x100xi32, #tpu.memory_space<vmem>>, %arg7: memref<2x100x64xf32, #tpu.memory_space<vmem>>, %arg8: memref<2x100x64xf32, #tpu.memory_space<vmem>>, %arg9: memref<2x100x64xf32, #tpu.memory_space<vmem>>, %arg10: memref<2x100x64xf32, #tpu.memory_space<vmem>>, %arg11: memref<2x100x64xf32, #tpu.memory_space<vmem>>, %arg12: memref<!tpu.dma_semaphore, #tpu.memory_space<semaphore_mem>>, %arg13: memref<!tpu.dma_semaphore, #tpu.memory_space<semaphore_mem>>, %arg14: memref<!tpu.dma_semaphore, #tpu.memory_space<semaphore_mem>>, %arg15: memref<!tpu.dma_semaphore, #tpu.memory_space<semaphore_mem>>, %arg16: memref<!tpu.dma_semaphore, #tpu.memory_space<semaphore_mem>>, %arg17: memref<!tpu.dma_semaphore, #tpu.memory_space<semaphore_mem>>, %arg18: memref<!tpu.dma_semaphore, #tpu.memory_space<semaphore_mem>>, %arg19: memref<!tpu.dma_semaphore, #tpu.memory_space<semaphore_mem>>) attributes {dimension_semantics = [#tpu.dimension_semantics<core_parallel>, #tpu.dimension_semantics<subcore_parallel>], iteration_bounds = array<i64: 2, 16>, scalar_prefetch = 0 : i64, scratch_operands = 14 : i64, tpu.core_type = #tpu.core_type<sc_vector_subcore>, window_params = [{transform_indices = #map}, {transform_indices = #map1}, {transform_indices = #map}, {transform_indices = #map}]} {
    %mul3A = arith.constant 2 : i32
    %mul3A_0 = arith.muli %arg1, %mul3A : i32
    %add3A = arith.addi %mul3A_0, %arg0 : i32
    %mul3A_1 = arith.constant 128 : i32
    %mul3A_2 = arith.muli %add3A, %mul3A_1 : i32
    "tpu.region"() ({
      %run_scoped3A = tpu.sem_alloc : memref<!tpu.dma_semaphore, #tpu.memory_space<semaphore_mem>>
      tpu.enqueue_dma source(%arg4 : memref<2x100x64xf32, #tpu.memory_space<hbm>>) target(%arg7 : memref<2x100x64xf32, #tpu.memory_space<vmem>>) target_semaphore(%run_scoped3A : memref<!tpu.dma_semaphore, #tpu.memory_space<semaphore_mem>>)
      tpu.wait_dma2 semaphore(%run_scoped3A : memref<!tpu.dma_semaphore, #tpu.memory_space<semaphore_mem>>) src(%arg4 : memref<2x100x64xf32, #tpu.memory_space<hbm>>) dst(%arg7 : memref<2x100x64xf32, #tpu.memory_space<vmem>>)
      tpu.yield
    }) : () -> ()
    "tpu.region"() ({
      %run_scoped3A = tpu.sem_alloc : memref<!tpu.dma_semaphore, #tpu.memory_space<semaphore_mem>>
      %dma_start3A_261 = arith.constant 0 : i32
      %dma_start3A_262 = arith.constant 0 : i32
      %dma_start3A_263 = tpu.memref_slice %arg2[%mul3A_2, %dma_start3A_261, %dma_start3A_262] : memref<4096x2x100xi32, #tpu.memory_space<hbm>> -> memref<128x2x100xi32, #tpu.memory_space<hbm>>
      %dma_start3A_264 = arith.constant 0 : i32
      %dma_start3A_265 = arith.constant 0 : i32
      %dma_start3A_266 = tpu.memref_slice %arg2[%mul3A_2, %dma_start3A_264, %dma_start3A_265] : memref<4096x2x100xi32, #tpu.memory_space<hbm>> -> memref<128x2x100xi32, #tpu.memory_space<hbm>>
      tpu.enqueue_dma source(%dma_start3A_266 : memref<128x2x100xi32, #tpu.memory_space<hbm>>) target(%arg6 : memref<128x2x100xi32, #tpu.memory_space<vmem>>) target_semaphore(%run_scoped3A : memref<!tpu.dma_semaphore, #tpu.memory_space<semaphore_mem>>)
      %dma_wait3A_267 = arith.constant 0 : i32
      %dma_wait3A_268 = arith.constant 0 : i32
      %dma_wait3A_269 = tpu.memref_slice %arg2[%mul3A_2, %dma_wait3A_267, %dma_wait3A_268] : memref<4096x2x100xi32, #tpu.memory_space<hbm>> -> memref<128x2x100xi32, #tpu.memory_space<hbm>>
      %dma_wait3A_270 = arith.constant 0 : i32
      %dma_wait3A_271 = arith.constant 0 : i32
      %dma_wait3A_272 = tpu.memref_slice %arg2[%mul3A_2, %dma_wait3A_270, %dma_wait3A_271] : memref<4096x2x100xi32, #tpu.memory_space<hbm>> -> memref<128x2x100xi32, #tpu.memory_space<hbm>>
      tpu.wait_dma2 semaphore(%run_scoped3A : memref<!tpu.dma_semaphore, #tpu.memory_space<semaphore_mem>>) src(%dma_wait3A_272 : memref<128x2x100xi32, #tpu.memory_space<hbm>>) dst(%arg6 : memref<128x2x100xi32, #tpu.memory_space<vmem>>)
      tpu.yield
    }) : () -> ()
    %dma_start3A = arith.constant 0 : i32
    %dma_start3A_3 = arith.constant 0 : i32
    %dma_start3A_4 = arith.constant 0 : i32
    %dma_start3A_5 = arith.constant 0 : i32
    %dma_start3A_6 = arith.constant 0 : i32
    %dma_start3A_7 = tpu.memref_slice %arg8[%dma_start3A_4, %dma_start3A_5, %dma_start3A_6] : memref<2x100x64xf32, #tpu.memory_space<vmem>> -> memref<1x100x64xf32, #tpu.memory_space<vmem>>
    %dma_start3A_8 = tpu.memref_squeeze %dma_start3A_7 : memref<1x100x64xf32, #tpu.memory_space<vmem>> -> memref<100x64xf32, #tpu.memory_space<vmem>>
    %dma_start3A_9 = arith.constant 0 : i32
    %dma_start3A_10 = tpu.memref_slice %arg6[%dma_start3A, %dma_start3A_3, %dma_start3A_9] : memref<128x2x100xi32, #tpu.memory_space<vmem>> -> memref<1x1x100xi32, #tpu.memory_space<vmem>>
    %dma_start3A_11 = tpu.memref_squeeze %dma_start3A_10 : memref<1x1x100xi32, #tpu.memory_space<vmem>> -> memref<100xi32, #tpu.memory_space<vmem>>
    %dma_start3A_12 = arith.constant 0 : i32
    %dma_start3A_13 = arith.constant 0 : i32
    %dma_start3A_14 = tpu.memref_slice %arg3[%dma_start3A_12, %dma_start3A_13] : memref<2000000x64xf32, #tpu.memory_space<hbm>> -> memref<2000000x64xf32, #tpu.memory_space<hbm>>
    tpu.enqueue_indirect_dma source(%dma_start3A_14 : memref<2000000x64xf32, #tpu.memory_space<hbm>>) target(%dma_start3A_8 : memref<100x64xf32, #tpu.memory_space<vmem>>) offsets(%dma_start3A_11 : memref<100xi32, #tpu.memory_space<vmem>>) semaphore(%arg12 : memref<!tpu.dma_semaphore, #tpu.memory_space<semaphore_mem>>)
    %dma_start3A_15 = arith.constant 0 : i32
    %dma_start3A_16 = arith.constant 1 : i32
    %dma_start3A_17 = arith.constant 1 : i32
    %dma_start3A_18 = arith.constant 0 : i32
    %dma_start3A_19 = arith.constant 0 : i32
    %dma_start3A_20 = tpu.memref_slice %arg8[%dma_start3A_17, %dma_start3A_18, %dma_start3A_19] : memref<2x100x64xf32, #tpu.memory_space<vmem>> -> memref<1x100x64xf32, #tpu.memory_space<vmem>>
    %dma_start3A_21 = tpu.memref_squeeze %dma_start3A_20 : memref<1x100x64xf32, #tpu.memory_space<vmem>> -> memref<100x64xf32, #tpu.memory_space<vmem>>
    %dma_start3A_22 = arith.constant 0 : i32
    %dma_start3A_23 = tpu.memref_slice %arg6[%dma_start3A_15, %dma_start3A_16, %dma_start3A_22] : memref<128x2x100xi32, #tpu.memory_space<vmem>> -> memref<1x1x100xi32, #tpu.memory_space<vmem>>
    %dma_start3A_24 = tpu.memref_squeeze %dma_start3A_23 : memref<1x1x100xi32, #tpu.memory_space<vmem>> -> memref<100xi32, #tpu.memory_space<vmem>>
    %dma_start3A_25 = arith.constant 0 : i32
    %dma_start3A_26 = arith.constant 0 : i32
    %dma_start3A_27 = tpu.memref_slice %arg3[%dma_start3A_25, %dma_start3A_26] : memref<2000000x64xf32, #tpu.memory_space<hbm>> -> memref<2000000x64xf32, #tpu.memory_space<hbm>>
    tpu.enqueue_indirect_dma source(%dma_start3A_27 : memref<2000000x64xf32, #tpu.memory_space<hbm>>) target(%dma_start3A_21 : memref<100x64xf32, #tpu.memory_space<vmem>>) offsets(%dma_start3A_24 : memref<100xi32, #tpu.memory_space<vmem>>) semaphore(%arg12 : memref<!tpu.dma_semaphore, #tpu.memory_space<semaphore_mem>>)
    %dma_start3A_28 = arith.constant 1 : i32
    %dma_start3A_29 = arith.constant 0 : i32
    %dma_start3A_30 = arith.constant 0 : i32
    %dma_start3A_31 = arith.constant 0 : i32
    %dma_start3A_32 = arith.constant 0 : i32
    %dma_start3A_33 = tpu.memref_slice %arg9[%dma_start3A_30, %dma_start3A_31, %dma_start3A_32] : memref<2x100x64xf32, #tpu.memory_space<vmem>> -> memref<1x100x64xf32, #tpu.memory_space<vmem>>
    %dma_start3A_34 = tpu.memref_squeeze %dma_start3A_33 : memref<1x100x64xf32, #tpu.memory_space<vmem>> -> memref<100x64xf32, #tpu.memory_space<vmem>>
    %dma_start3A_35 = arith.constant 0 : i32
    %dma_start3A_36 = tpu.memref_slice %arg6[%dma_start3A_28, %dma_start3A_29, %dma_start3A_35] : memref<128x2x100xi32, #tpu.memory_space<vmem>> -> memref<1x1x100xi32, #tpu.memory_space<vmem>>
    %dma_start3A_37 = tpu.memref_squeeze %dma_start3A_36 : memref<1x1x100xi32, #tpu.memory_space<vmem>> -> memref<100xi32, #tpu.memory_space<vmem>>
    %dma_start3A_38 = arith.constant 0 : i32
    %dma_start3A_39 = arith.constant 0 : i32
    %dma_start3A_40 = tpu.memref_slice %arg3[%dma_start3A_38, %dma_start3A_39] : memref<2000000x64xf32, #tpu.memory_space<hbm>> -> memref<2000000x64xf32, #tpu.memory_space<hbm>>
    tpu.enqueue_indirect_dma source(%dma_start3A_40 : memref<2000000x64xf32, #tpu.memory_space<hbm>>) target(%dma_start3A_34 : memref<100x64xf32, #tpu.memory_space<vmem>>) offsets(%dma_start3A_37 : memref<100xi32, #tpu.memory_space<vmem>>) semaphore(%arg13 : memref<!tpu.dma_semaphore, #tpu.memory_space<semaphore_mem>>)
    %dma_start3A_41 = arith.constant 1 : i32
    %dma_start3A_42 = arith.constant 1 : i32
    %dma_start3A_43 = arith.constant 1 : i32
    %dma_start3A_44 = arith.constant 0 : i32
    %dma_start3A_45 = arith.constant 0 : i32
    %dma_start3A_46 = tpu.memref_slice %arg9[%dma_start3A_43, %dma_start3A_44, %dma_start3A_45] : memref<2x100x64xf32, #tpu.memory_space<vmem>> -> memref<1x100x64xf32, #tpu.memory_space<vmem>>
    %dma_start3A_47 = tpu.memref_squeeze %dma_start3A_46 : memref<1x100x64xf32, #tpu.memory_space<vmem>> -> memref<100x64xf32, #tpu.memory_space<vmem>>
    %dma_start3A_48 = arith.constant 0 : i32
    %dma_start3A_49 = tpu.memref_slice %arg6[%dma_start3A_41, %dma_start3A_42, %dma_start3A_48] : memref<128x2x100xi32, #tpu.memory_space<vmem>> -> memref<1x1x100xi32, #tpu.memory_space<vmem>>
    %dma_start3A_50 = tpu.memref_squeeze %dma_start3A_49 : memref<1x1x100xi32, #tpu.memory_space<vmem>> -> memref<100xi32, #tpu.memory_space<vmem>>
    %dma_start3A_51 = arith.constant 0 : i32
    %dma_start3A_52 = arith.constant 0 : i32
    %dma_start3A_53 = tpu.memref_slice %arg3[%dma_start3A_51, %dma_start3A_52] : memref<2000000x64xf32, #tpu.memory_space<hbm>> -> memref<2000000x64xf32, #tpu.memory_space<hbm>>
    tpu.enqueue_indirect_dma source(%dma_start3A_53 : memref<2000000x64xf32, #tpu.memory_space<hbm>>) target(%dma_start3A_47 : memref<100x64xf32, #tpu.memory_space<vmem>>) offsets(%dma_start3A_50 : memref<100xi32, #tpu.memory_space<vmem>>) semaphore(%arg13 : memref<!tpu.dma_semaphore, #tpu.memory_space<semaphore_mem>>)
    %dma_start3A_54 = arith.constant 2 : i32
    %dma_start3A_55 = arith.constant 0 : i32
    %dma_start3A_56 = arith.constant 0 : i32
    %dma_start3A_57 = arith.constant 0 : i32
    %dma_start3A_58 = arith.constant 0 : i32
    %dma_start3A_59 = tpu.memref_slice %arg10[%dma_start3A_56, %dma_start3A_57, %dma_start3A_58] : memref<2x100x64xf32, #tpu.memory_space<vmem>> -> memref<1x100x64xf32, #tpu.memory_space<vmem>>
    %dma_start3A_60 = tpu.memref_squeeze %dma_start3A_59 : memref<1x100x64xf32, #tpu.memory_space<vmem>> -> memref<100x64xf32, #tpu.memory_space<vmem>>
    %dma_start3A_61 = arith.constant 0 : i32
    %dma_start3A_62 = tpu.memref_slice %arg6[%dma_start3A_54, %dma_start3A_55, %dma_start3A_61] : memref<128x2x100xi32, #tpu.memory_space<vmem>> -> memref<1x1x100xi32, #tpu.memory_space<vmem>>
    %dma_start3A_63 = tpu.memref_squeeze %dma_start3A_62 : memref<1x1x100xi32, #tpu.memory_space<vmem>> -> memref<100xi32, #tpu.memory_space<vmem>>
    %dma_start3A_64 = arith.constant 0 : i32
    %dma_start3A_65 = arith.constant 0 : i32
    %dma_start3A_66 = tpu.memref_slice %arg3[%dma_start3A_64, %dma_start3A_65] : memref<2000000x64xf32, #tpu.memory_space<hbm>> -> memref<2000000x64xf32, #tpu.memory_space<hbm>>
    tpu.enqueue_indirect_dma source(%dma_start3A_66 : memref<2000000x64xf32, #tpu.memory_space<hbm>>) target(%dma_start3A_60 : memref<100x64xf32, #tpu.memory_space<vmem>>) offsets(%dma_start3A_63 : memref<100xi32, #tpu.memory_space<vmem>>) semaphore(%arg14 : memref<!tpu.dma_semaphore, #tpu.memory_space<semaphore_mem>>)
    %dma_start3A_67 = arith.constant 2 : i32
    %dma_start3A_68 = arith.constant 1 : i32
    %dma_start3A_69 = arith.constant 1 : i32
    %dma_start3A_70 = arith.constant 0 : i32
    %dma_start3A_71 = arith.constant 0 : i32
    %dma_start3A_72 = tpu.memref_slice %arg10[%dma_start3A_69, %dma_start3A_70, %dma_start3A_71] : memref<2x100x64xf32, #tpu.memory_space<vmem>> -> memref<1x100x64xf32, #tpu.memory_space<vmem>>
    %dma_start3A_73 = tpu.memref_squeeze %dma_start3A_72 : memref<1x100x64xf32, #tpu.memory_space<vmem>> -> memref<100x64xf32, #tpu.memory_space<vmem>>
    %dma_start3A_74 = arith.constant 0 : i32
    %dma_start3A_75 = tpu.memref_slice %arg6[%dma_start3A_67, %dma_start3A_68, %dma_start3A_74] : memref<128x2x100xi32, #tpu.memory_space<vmem>> -> memref<1x1x100xi32, #tpu.memory_space<vmem>>
    %dma_start3A_76 = tpu.memref_squeeze %dma_start3A_75 : memref<1x1x100xi32, #tpu.memory_space<vmem>> -> memref<100xi32, #tpu.memory_space<vmem>>
    %dma_start3A_77 = arith.constant 0 : i32
    %dma_start3A_78 = arith.constant 0 : i32
    %dma_start3A_79 = tpu.memref_slice %arg3[%dma_start3A_77, %dma_start3A_78] : memref<2000000x64xf32, #tpu.memory_space<hbm>> -> memref<2000000x64xf32, #tpu.memory_space<hbm>>
    tpu.enqueue_indirect_dma source(%dma_start3A_79 : memref<2000000x64xf32, #tpu.memory_space<hbm>>) target(%dma_start3A_73 : memref<100x64xf32, #tpu.memory_space<vmem>>) offsets(%dma_start3A_76 : memref<100xi32, #tpu.memory_space<vmem>>) semaphore(%arg14 : memref<!tpu.dma_semaphore, #tpu.memory_space<semaphore_mem>>)
    %dma_start3A_80 = arith.constant 3 : i32
    %dma_start3A_81 = arith.constant 0 : i32
    %dma_start3A_82 = arith.constant 0 : i32
    %dma_start3A_83 = arith.constant 0 : i32
    %dma_start3A_84 = arith.constant 0 : i32
    %dma_start3A_85 = tpu.memref_slice %arg11[%dma_start3A_82, %dma_start3A_83, %dma_start3A_84] : memref<2x100x64xf32, #tpu.memory_space<vmem>> -> memref<1x100x64xf32, #tpu.memory_space<vmem>>
    %dma_start3A_86 = tpu.memref_squeeze %dma_start3A_85 : memref<1x100x64xf32, #tpu.memory_space<vmem>> -> memref<100x64xf32, #tpu.memory_space<vmem>>
    %dma_start3A_87 = arith.constant 0 : i32
    %dma_start3A_88 = tpu.memref_slice %arg6[%dma_start3A_80, %dma_start3A_81, %dma_start3A_87] : memref<128x2x100xi32, #tpu.memory_space<vmem>> -> memref<1x1x100xi32, #tpu.memory_space<vmem>>
    %dma_start3A_89 = tpu.memref_squeeze %dma_start3A_88 : memref<1x1x100xi32, #tpu.memory_space<vmem>> -> memref<100xi32, #tpu.memory_space<vmem>>
    %dma_start3A_90 = arith.constant 0 : i32
    %dma_start3A_91 = arith.constant 0 : i32
    %dma_start3A_92 = tpu.memref_slice %arg3[%dma_start3A_90, %dma_start3A_91] : memref<2000000x64xf32, #tpu.memory_space<hbm>> -> memref<2000000x64xf32, #tpu.memory_space<hbm>>
    tpu.enqueue_indirect_dma source(%dma_start3A_92 : memref<2000000x64xf32, #tpu.memory_space<hbm>>) target(%dma_start3A_86 : memref<100x64xf32, #tpu.memory_space<vmem>>) offsets(%dma_start3A_89 : memref<100xi32, #tpu.memory_space<vmem>>) semaphore(%arg15 : memref<!tpu.dma_semaphore, #tpu.memory_space<semaphore_mem>>)
    %dma_start3A_93 = arith.constant 3 : i32
    %dma_start3A_94 = arith.constant 1 : i32
    %dma_start3A_95 = arith.constant 1 : i32
    %dma_start3A_96 = arith.constant 0 : i32
    %dma_start3A_97 = arith.constant 0 : i32
    %dma_start3A_98 = tpu.memref_slice %arg11[%dma_start3A_95, %dma_start3A_96, %dma_start3A_97] : memref<2x100x64xf32, #tpu.memory_space<vmem>> -> memref<1x100x64xf32, #tpu.memory_space<vmem>>
    %dma_start3A_99 = tpu.memref_squeeze %dma_start3A_98 : memref<1x100x64xf32, #tpu.memory_space<vmem>> -> memref<100x64xf32, #tpu.memory_space<vmem>>
    %dma_start3A_100 = arith.constant 0 : i32
    %dma_start3A_101 = tpu.memref_slice %arg6[%dma_start3A_93, %dma_start3A_94, %dma_start3A_100] : memref<128x2x100xi32, #tpu.memory_space<vmem>> -> memref<1x1x100xi32, #tpu.memory_space<vmem>>
    %dma_start3A_102 = tpu.memref_squeeze %dma_start3A_101 : memref<1x1x100xi32, #tpu.memory_space<vmem>> -> memref<100xi32, #tpu.memory_space<vmem>>
    %dma_start3A_103 = arith.constant 0 : i32
    %dma_start3A_104 = arith.constant 0 : i32
    %dma_start3A_105 = tpu.memref_slice %arg3[%dma_start3A_103, %dma_start3A_104] : memref<2000000x64xf32, #tpu.memory_space<hbm>> -> memref<2000000x64xf32, #tpu.memory_space<hbm>>
    tpu.enqueue_indirect_dma source(%dma_start3A_105 : memref<2000000x64xf32, #tpu.memory_space<hbm>>) target(%dma_start3A_99 : memref<100x64xf32, #tpu.memory_space<vmem>>) offsets(%dma_start3A_102 : memref<100xi32, #tpu.memory_space<vmem>>) semaphore(%arg15 : memref<!tpu.dma_semaphore, #tpu.memory_space<semaphore_mem>>)
    %scan3A = arith.constant 0 : i32
    %scan3A_106 = arith.constant 32 : i32
    %scan3A_107 = arith.addi %scan3A, %scan3A_106 : i32
    %scan3A_108 = arith.constant 1 : i32
    scf.for %scan3A_261 = %scan3A to %scan3A_107 step %scan3A_108  : i32 {
      %mul3A_262 = arith.constant 4 : i32
      %mul3A_263 = arith.muli %scan3A_261, %mul3A_262 : i32
      %add3A_264 = arith.constant 0 : i32
      %add3A_265 = arith.addi %mul3A_263, %add3A_264 : i32
      %dma_wait3A_266 = arith.constant 0 : i32
      %dma_wait3A_267 = arith.constant 0 : i32
      %dma_wait3A_268 = arith.constant 0 : i32
      %dma_wait3A_269 = arith.constant 0 : i32
      %dma_wait3A_270 = tpu.memref_slice %arg8[%dma_wait3A_267, %dma_wait3A_268, %dma_wait3A_269] : memref<2x100x64xf32, #tpu.memory_space<vmem>> -> memref<1x100x64xf32, #tpu.memory_space<vmem>>
      %dma_wait3A_271 = tpu.memref_squeeze %dma_wait3A_270 : memref<1x100x64xf32, #tpu.memory_space<vmem>> -> memref<100x64xf32, #tpu.memory_space<vmem>>
      %dma_wait3A_272 = arith.constant 0 : i32
      %dma_wait3A_273 = tpu.memref_slice %arg6[%add3A_265, %dma_wait3A_266, %dma_wait3A_272] : memref<128x2x100xi32, #tpu.memory_space<vmem>> -> memref<1x1x100xi32, #tpu.memory_space<vmem>>
      %dma_wait3A_274 = tpu.memref_squeeze %dma_wait3A_273 : memref<1x1x100xi32, #tpu.memory_space<vmem>> -> memref<100xi32, #tpu.memory_space<vmem>>
      %dma_wait3A_275 = arith.constant 0 : i32
      %dma_wait3A_276 = arith.constant 0 : i32
      %dma_wait3A_277 = tpu.memref_slice %arg3[%dma_wait3A_275, %dma_wait3A_276] : memref<2000000x64xf32, #tpu.memory_space<hbm>> -> memref<2000000x64xf32, #tpu.memory_space<hbm>>
      tpu.wait_indirect_dma semaphore(%arg12 : memref<!tpu.dma_semaphore, #tpu.memory_space<semaphore_mem>>) src(%dma_wait3A_277 : memref<2000000x64xf32, #tpu.memory_space<hbm>>) dst(%dma_wait3A_271 : memref<100x64xf32, #tpu.memory_space<vmem>>)
      %dma_wait3A_278 = arith.constant 1 : i32
      %dma_wait3A_279 = arith.constant 1 : i32
      %dma_wait3A_280 = arith.constant 0 : i32
      %dma_wait3A_281 = arith.constant 0 : i32
      %dma_wait3A_282 = tpu.memref_slice %arg8[%dma_wait3A_279, %dma_wait3A_280, %dma_wait3A_281] : memref<2x100x64xf32, #tpu.memory_space<vmem>> -> memref<1x100x64xf32, #tpu.memory_space<vmem>>
      %dma_wait3A_283 = tpu.memref_squeeze %dma_wait3A_282 : memref<1x100x64xf32, #tpu.memory_space<vmem>> -> memref<100x64xf32, #tpu.memory_space<vmem>>
      %dma_wait3A_284 = arith.constant 0 : i32
      %dma_wait3A_285 = tpu.memref_slice %arg6[%add3A_265, %dma_wait3A_278, %dma_wait3A_284] : memref<128x2x100xi32, #tpu.memory_space<vmem>> -> memref<1x1x100xi32, #tpu.memory_space<vmem>>
      %dma_wait3A_286 = tpu.memref_squeeze %dma_wait3A_285 : memref<1x1x100xi32, #tpu.memory_space<vmem>> -> memref<100xi32, #tpu.memory_space<vmem>>
      %dma_wait3A_287 = arith.constant 0 : i32
      %dma_wait3A_288 = arith.constant 0 : i32
      %dma_wait3A_289 = tpu.memref_slice %arg3[%dma_wait3A_287, %dma_wait3A_288] : memref<2000000x64xf32, #tpu.memory_space<hbm>> -> memref<2000000x64xf32, #tpu.memory_space<hbm>>
      tpu.wait_indirect_dma semaphore(%arg12 : memref<!tpu.dma_semaphore, #tpu.memory_space<semaphore_mem>>) src(%dma_wait3A_289 : memref<2000000x64xf32, #tpu.memory_space<hbm>>) dst(%dma_wait3A_283 : memref<100x64xf32, #tpu.memory_space<vmem>>)
      %scan3A_290 = arith.constant 0 : i32
      %scan3A_291 = arith.constant 100 : i32
      %scan3A_292 = arith.addi %scan3A_290, %scan3A_291 : i32
      %scan3A_293 = arith.constant 1 : i32
      scf.for %scan3A_534 = %scan3A_290 to %scan3A_292 step %scan3A_293  : i32 {
        %get3A = arith.constant 0 : i32
        %get3A_535 = arith.index_cast %get3A : i32 to index
        %get3A_536 = arith.index_cast %scan3A_534 : i32 to index
        %get3A_537 = arith.constant 0 : index
        %get3A_538 = tpu.vector_load %arg7[%get3A_535, %get3A_536, %get3A_537] {strides = array<i32>} : memref<2x100x64xf32, #tpu.memory_space<vmem>>, vector<1x1x16xf32>,
        %get3A_539 = vector.shape_cast %get3A_538 : vector<1x1x16xf32> to vector<16xf32>
        %swap3A = arith.constant 0 : i32
        %swap3A_540 = arith.index_cast %swap3A : i32 to index
        %swap3A_541 = arith.index_cast %scan3A_534 : i32 to index
        %swap3A_542 = arith.constant 0 : index
        %swap3A_543 = tpu.vector_load %arg8[%swap3A_540, %swap3A_541, %swap3A_542] {strides = array<i32>} : memref<2x100x64xf32, #tpu.memory_space<vmem>>, vector<1x1x16xf32>,
        %swap3A_544 = vector.shape_cast %swap3A_543 : vector<1x1x16xf32> to vector<16xf32>
        %swap3A_545 = vector.shape_cast %get3A_539 : vector<16xf32> to vector<1x1x16xf32>
        tpu.vector_store %arg8[%swap3A_540, %swap3A_541, %swap3A_542], %swap3A_545 {add = true, strides = array<i32>} : memref<2x100x64xf32, #tpu.memory_space<vmem>>, vector<1x1x16xf32>,
        %get3A_546 = arith.constant 0 : i32
        %get3A_547 = arith.index_cast %get3A_546 : i32 to index
        %get3A_548 = arith.index_cast %scan3A_534 : i32 to index
        %get3A_549 = arith.constant 16 : index
        %get3A_550 = tpu.vector_load %arg7[%get3A_547, %get3A_548, %get3A_549] {strides = array<i32>} : memref<2x100x64xf32, #tpu.memory_space<vmem>>, vector<1x1x16xf32>,
        %get3A_551 = vector.shape_cast %get3A_550 : vector<1x1x16xf32> to vector<16xf32>
        %swap3A_552 = arith.constant 0 : i32
        %swap3A_553 = arith.index_cast %swap3A_552 : i32 to index
        %swap3A_554 = arith.index_cast %scan3A_534 : i32 to index
        %swap3A_555 = arith.constant 16 : index
        %swap3A_556 = tpu.vector_load %arg8[%swap3A_553, %swap3A_554, %swap3A_555] {strides = array<i32>} : memref<2x100x64xf32, #tpu.memory_space<vmem>>, vector<1x1x16xf32>,
        %swap3A_557 = vector.shape_cast %swap3A_556 : vector<1x1x16xf32> to vector<16xf32>
        %swap3A_558 = vector.shape_cast %get3A_551 : vector<16xf32> to vector<1x1x16xf32>
        tpu.vector_store %arg8[%swap3A_553, %swap3A_554, %swap3A_555], %swap3A_558 {add = true, strides = array<i32>} : memref<2x100x64xf32, #tpu.memory_space<vmem>>, vector<1x1x16xf32>,
        %get3A_559 = arith.constant 0 : i32
        %get3A_560 = arith.index_cast %get3A_559 : i32 to index
        %get3A_561 = arith.index_cast %scan3A_534 : i32 to index
        %get3A_562 = arith.constant 32 : index
        %get3A_563 = tpu.vector_load %arg7[%get3A_560, %get3A_561, %get3A_562] {strides = array<i32>} : memref<2x100x64xf32, #tpu.memory_space<vmem>>, vector<1x1x16xf32>,
        %get3A_564 = vector.shape_cast %get3A_563 : vector<1x1x16xf32> to vector<16xf32>
        %swap3A_565 = arith.constant 0 : i32
        %swap3A_566 = arith.index_cast %swap3A_565 : i32 to index
        %swap3A_567 = arith.index_cast %scan3A_534 : i32 to index
        %swap3A_568 = arith.constant 32 : index
        %swap3A_569 = tpu.vector_load %arg8[%swap3A_566, %swap3A_567, %swap3A_568] {strides = array<i32>} : memref<2x100x64xf32, #tpu.memory_space<vmem>>, vector<1x1x16xf32>,
        %swap3A_570 = vector.shape_cast %swap3A_569 : vector<1x1x16xf32> to vector<16xf32>
        %swap3A_571 = vector.shape_cast %get3A_564 : vector<16xf32> to vector<1x1x16xf32>
        tpu.vector_store %arg8[%swap3A_566, %swap3A_567, %swap3A_568], %swap3A_571 {add = true, strides = array<i32>} : memref<2x100x64xf32, #tpu.memory_space<vmem>>, vector<1x1x16xf32>,
        %get3A_572 = arith.constant 0 : i32
        %get3A_573 = arith.index_cast %get3A_572 : i32 to index
        %get3A_574 = arith.index_cast %scan3A_534 : i32 to index
        %get3A_575 = arith.constant 48 : index
        %get3A_576 = tpu.vector_load %arg7[%get3A_573, %get3A_574, %get3A_575] {strides = array<i32>} : memref<2x100x64xf32, #tpu.memory_space<vmem>>, vector<1x1x16xf32>,
        %get3A_577 = vector.shape_cast %get3A_576 : vector<1x1x16xf32> to vector<16xf32>
        %swap3A_578 = arith.constant 0 : i32
        %swap3A_579 = arith.index_cast %swap3A_578 : i32 to index
        %swap3A_580 = arith.index_cast %scan3A_534 : i32 to index
        %swap3A_581 = arith.constant 48 : index
        %swap3A_582 = tpu.vector_load %arg8[%swap3A_579, %swap3A_580, %swap3A_581] {strides = array<i32>} : memref<2x100x64xf32, #tpu.memory_space<vmem>>, vector<1x1x16xf32>,
        %swap3A_583 = vector.shape_cast %swap3A_582 : vector<1x1x16xf32> to vector<16xf32>
        %swap3A_584 = vector.shape_cast %get3A_577 : vector<16xf32> to vector<1x1x16xf32>
        tpu.vector_store %arg8[%swap3A_579, %swap3A_580, %swap3A_581], %swap3A_584 {add = true, strides = array<i32>} : memref<2x100x64xf32, #tpu.memory_space<vmem>>, vector<1x1x16xf32>,
        %get3A_585 = arith.constant 1 : i32
        %get3A_586 = arith.index_cast %get3A_585 : i32 to index
        %get3A_587 = arith.index_cast %scan3A_534 : i32 to index
        %get3A_588 = arith.constant 0 : index
        %get3A_589 = tpu.vector_load %arg7[%get3A_586, %get3A_587, %get3A_588] {strides = array<i32>} : memref<2x100x64xf32, #tpu.memory_space<vmem>>, vector<1x1x16xf32>,
        %get3A_590 = vector.shape_cast %get3A_589 : vector<1x1x16xf32> to vector<16xf32>
        %swap3A_591 = arith.constant 1 : i32
        %swap3A_592 = arith.index_cast %swap3A_591 : i32 to index
        %swap3A_593 = arith.index_cast %scan3A_534 : i32 to index
        %swap3A_594 = arith.constant 0 : index
        %swap3A_595 = tpu.vector_load %arg8[%swap3A_592, %swap3A_593, %swap3A_594] {strides = array<i32>} : memref<2x100x64xf32, #tpu.memory_space<vmem>>, vector<1x1x16xf32>,
        %swap3A_596 = vector.shape_cast %swap3A_595 : vector<1x1x16xf32> to vector<16xf32>
        %swap3A_597 = vector.shape_cast %get3A_590 : vector<16xf32> to vector<1x1x16xf32>
        tpu.vector_store %arg8[%swap3A_592, %swap3A_593, %swap3A_594], %swap3A_597 {add = true, strides = array<i32>} : memref<2x100x64xf32, #tpu.memory_space<vmem>>, vector<1x1x16xf32>,
        %get3A_598 = arith.constant 1 : i32
        %get3A_599 = arith.index_cast %get3A_598 : i32 to index
        %get3A_600 = arith.index_cast %scan3A_534 : i32 to index
        %get3A_601 = arith.constant 16 : index
        %get3A_602 = tpu.vector_load %arg7[%get3A_599, %get3A_600, %get3A_601] {strides = array<i32>} : memref<2x100x64xf32, #tpu.memory_space<vmem>>, vector<1x1x16xf32>,
        %get3A_603 = vector.shape_cast %get3A_602 : vector<1x1x16xf32> to vector<16xf32>
        %swap3A_604 = arith.constant 1 : i32
        %swap3A_605 = arith.index_cast %swap3A_604 : i32 to index
        %swap3A_606 = arith.index_cast %scan3A_534 : i32 to index
        %swap3A_607 = arith.constant 16 : index
        %swap3A_608 = tpu.vector_load %arg8[%swap3A_605, %swap3A_606, %swap3A_607] {strides = array<i32>} : memref<2x100x64xf32, #tpu.memory_space<vmem>>, vector<1x1x16xf32>,
        %swap3A_609 = vector.shape_cast %swap3A_608 : vector<1x1x16xf32> to vector<16xf32>
        %swap3A_610 = vector.shape_cast %get3A_603 : vector<16xf32> to vector<1x1x16xf32>
        tpu.vector_store %arg8[%swap3A_605, %swap3A_606, %swap3A_607], %swap3A_610 {add = true, strides = array<i32>} : memref<2x100x64xf32, #tpu.memory_space<vmem>>, vector<1x1x16xf32>,
        %get3A_611 = arith.constant 1 : i32
        %get3A_612 = arith.index_cast %get3A_611 : i32 to index
        %get3A_613 = arith.index_cast %scan3A_534 : i32 to index
        %get3A_614 = arith.constant 32 : index
        %get3A_615 = tpu.vector_load %arg7[%get3A_612, %get3A_613, %get3A_614] {strides = array<i32>} : memref<2x100x64xf32, #tpu.memory_space<vmem>>, vector<1x1x16xf32>,
        %get3A_616 = vector.shape_cast %get3A_615 : vector<1x1x16xf32> to vector<16xf32>
        %swap3A_617 = arith.constant 1 : i32
        %swap3A_618 = arith.index_cast %swap3A_617 : i32 to index
        %swap3A_619 = arith.index_cast %scan3A_534 : i32 to index
        %swap3A_620 = arith.constant 32 : index
        %swap3A_621 = tpu.vector_load %arg8[%swap3A_618, %swap3A_619, %swap3A_620] {strides = array<i32>} : memref<2x100x64xf32, #tpu.memory_space<vmem>>, vector<1x1x16xf32>,
        %swap3A_622 = vector.shape_cast %swap3A_621 : vector<1x1x16xf32> to vector<16xf32>
        %swap3A_623 = vector.shape_cast %get3A_616 : vector<16xf32> to vector<1x1x16xf32>
        tpu.vector_store %arg8[%swap3A_618, %swap3A_619, %swap3A_620], %swap3A_623 {add = true, strides = array<i32>} : memref<2x100x64xf32, #tpu.memory_space<vmem>>, vector<1x1x16xf32>,
        %get3A_624 = arith.constant 1 : i32
        %get3A_625 = arith.index_cast %get3A_624 : i32 to index
        %get3A_626 = arith.index_cast %scan3A_534 : i32 to index
        %get3A_627 = arith.constant 48 : index
        %get3A_628 = tpu.vector_load %arg7[%get3A_625, %get3A_626, %get3A_627] {strides = array<i32>} : memref<2x100x64xf32, #tpu.memory_space<vmem>>, vector<1x1x16xf32>,
        %get3A_629 = vector.shape_cast %get3A_628 : vector<1x1x16xf32> to vector<16xf32>
        %swap3A_630 = arith.constant 1 : i32
        %swap3A_631 = arith.index_cast %swap3A_630 : i32 to index
        %swap3A_632 = arith.index_cast %scan3A_534 : i32 to index
        %swap3A_633 = arith.constant 48 : index
        %swap3A_634 = tpu.vector_load %arg8[%swap3A_631, %swap3A_632, %swap3A_633] {strides = array<i32>} : memref<2x100x64xf32, #tpu.memory_space<vmem>>, vector<1x1x16xf32>,
        %swap3A_635 = vector.shape_cast %swap3A_634 : vector<1x1x16xf32> to vector<16xf32>
        %swap3A_636 = vector.shape_cast %get3A_629 : vector<16xf32> to vector<1x1x16xf32>
        tpu.vector_store %arg8[%swap3A_631, %swap3A_632, %swap3A_633], %swap3A_636 {add = true, strides = array<i32>} : memref<2x100x64xf32, #tpu.memory_space<vmem>>, vector<1x1x16xf32>,
      }
      %scan3A_294 = arith.constant 100 : i32
      %add3A_295 = arith.addi %mul3A_2, %add3A_265 : i32
      %dma_start3A_296 = arith.constant 0 : i32
      %dma_start3A_297 = arith.constant 0 : i32
      %dma_start3A_298 = arith.constant 0 : i32
      %dma_start3A_299 = tpu.memref_slice %arg8[%dma_start3A_296, %dma_start3A_297, %dma_start3A_298] : memref<2x100x64xf32, #tpu.memory_space<vmem>> -> memref<1x100x64xf32, #tpu.memory_space<vmem>>
      %dma_start3A_300 = tpu.memref_squeeze %dma_start3A_299 : memref<1x100x64xf32, #tpu.memory_space<vmem>> -> memref<100x64xf32, #tpu.memory_space<vmem>>
      %dma_start3A_301 = arith.constant 0 : i32
      %dma_start3A_302 = arith.constant 0 : i32
      %dma_start3A_303 = tpu.memref_slice %arg5[%add3A_295, %dma_start3A_301, %dma_start3A_302] : memref<4096x100x128xf32, #tpu.memory_space<hbm>> -> memref<1x100x64xf32, #tpu.memory_space<hbm>>
      %dma_start3A_304 = tpu.memref_squeeze %dma_start3A_303 : memref<1x100x64xf32, #tpu.memory_space<hbm>> -> memref<100x64xf32, #tpu.memory_space<hbm>>
      %dma_start3A_305 = arith.constant 0 : i32
      %dma_start3A_306 = arith.constant 0 : i32
      %dma_start3A_307 = tpu.memref_slice %arg5[%add3A_295, %dma_start3A_305, %dma_start3A_306] : memref<4096x100x128xf32, #tpu.memory_space<hbm>> -> memref<1x100x64xf32, #tpu.memory_space<hbm>>
      %dma_start3A_308 = tpu.memref_squeeze %dma_start3A_307 : memref<1x100x64xf32, #tpu.memory_space<hbm>> -> memref<100x64xf32, #tpu.memory_space<hbm>>
      %dma_start3A_309 = arith.constant 0 : i32
      %dma_start3A_310 = arith.constant 0 : i32
      %dma_start3A_311 = tpu.memref_slice %arg8[%dma_start3A_296, %dma_start3A_309, %dma_start3A_310] : memref<2x100x64xf32, #tpu.memory_space<vmem>> -> memref<1x100x64xf32, #tpu.memory_space<vmem>>
      %dma_start3A_312 = tpu.memref_squeeze %dma_start3A_311 : memref<1x100x64xf32, #tpu.memory_space<vmem>> -> memref<100x64xf32, #tpu.memory_space<vmem>>
      tpu.enqueue_dma source(%dma_start3A_312 : memref<100x64xf32, #tpu.memory_space<vmem>>) target(%dma_start3A_308 : memref<100x64xf32, #tpu.memory_space<hbm>>) target_semaphore(%arg16 : memref<!tpu.dma_semaphore, #tpu.memory_space<semaphore_mem>>)
      %add3A_313 = arith.addi %mul3A_2, %add3A_265 : i32
      %dma_start3A_314 = arith.constant 1 : i32
      %dma_start3A_315 = arith.constant 0 : i32
      %dma_start3A_316 = arith.constant 0 : i32
      %dma_start3A_317 = tpu.memref_slice %arg8[%dma_start3A_314, %dma_start3A_315, %dma_start3A_316] : memref<2x100x64xf32, #tpu.memory_space<vmem>> -> memref<1x100x64xf32, #tpu.memory_space<vmem>>
      %dma_start3A_318 = tpu.memref_squeeze %dma_start3A_317 : memref<1x100x64xf32, #tpu.memory_space<vmem>> -> memref<100x64xf32, #tpu.memory_space<vmem>>
      %dma_start3A_319 = arith.constant 0 : i32
      %dma_start3A_320 = arith.constant 64 : i32
      %dma_start3A_321 = tpu.memref_slice %arg5[%add3A_313, %dma_start3A_319, %dma_start3A_320] : memref<4096x100x128xf32, #tpu.memory_space<hbm>> -> memref<1x100x64xf32, #tpu.memory_space<hbm>>
      %dma_start3A_322 = tpu.memref_squeeze %dma_start3A_321 : memref<1x100x64xf32, #tpu.memory_space<hbm>> -> memref<100x64xf32, #tpu.memory_space<hbm>>
      %dma_start3A_323 = arith.constant 0 : i32
      %dma_start3A_324 = arith.constant 64 : i32
      %dma_start3A_325 = tpu.memref_slice %arg5[%add3A_313, %dma_start3A_323, %dma_start3A_324] : memref<4096x100x128xf32, #tpu.memory_space<hbm>> -> memref<1x100x64xf32, #tpu.memory_space<hbm>>
      %dma_start3A_326 = tpu.memref_squeeze %dma_start3A_325 : memref<1x100x64xf32, #tpu.memory_space<hbm>> -> memref<100x64xf32, #tpu.memory_space<hbm>>
      %dma_start3A_327 = arith.constant 0 : i32
      %dma_start3A_328 = arith.constant 0 : i32
      %dma_start3A_329 = tpu.memref_slice %arg8[%dma_start3A_314, %dma_start3A_327, %dma_start3A_328] : memref<2x100x64xf32, #tpu.memory_space<vmem>> -> memref<1x100x64xf32, #tpu.memory_space<vmem>>
      %dma_start3A_330 = tpu.memref_squeeze %dma_start3A_329 : memref<1x100x64xf32, #tpu.memory_space<vmem>> -> memref<100x64xf32, #tpu.memory_space<vmem>>
      tpu.enqueue_dma source(%dma_start3A_330 : memref<100x64xf32, #tpu.memory_space<vmem>>) target(%dma_start3A_326 : memref<100x64xf32, #tpu.memory_space<hbm>>) target_semaphore(%arg16 : memref<!tpu.dma_semaphore, #tpu.memory_space<semaphore_mem>>)
      %add3A_331 = arith.constant 1 : i32
      %add3A_332 = arith.addi %mul3A_263, %add3A_331 : i32
      %dma_wait3A_333 = arith.constant 0 : i32
      %dma_wait3A_334 = arith.constant 0 : i32
      %dma_wait3A_335 = arith.constant 0 : i32
      %dma_wait3A_336 = arith.constant 0 : i32
      %dma_wait3A_337 = tpu.memref_slice %arg9[%dma_wait3A_334, %dma_wait3A_335, %dma_wait3A_336] : memref<2x100x64xf32, #tpu.memory_space<vmem>> -> memref<1x100x64xf32, #tpu.memory_space<vmem>>
      %dma_wait3A_338 = tpu.memref_squeeze %dma_wait3A_337 : memref<1x100x64xf32, #tpu.memory_space<vmem>> -> memref<100x64xf32, #tpu.memory_space<vmem>>
      %dma_wait3A_339 = arith.constant 0 : i32
      %dma_wait3A_340 = tpu.memref_slice %arg6[%add3A_332, %dma_wait3A_333, %dma_wait3A_339] : memref<128x2x100xi32, #tpu.memory_space<vmem>> -> memref<1x1x100xi32, #tpu.memory_space<vmem>>
      %dma_wait3A_341 = tpu.memref_squeeze %dma_wait3A_340 : memref<1x1x100xi32, #tpu.memory_space<vmem>> -> memref<100xi32, #tpu.memory_space<vmem>>
      %dma_wait3A_342 = arith.constant 0 : i32
      %dma_wait3A_343 = arith.constant 0 : i32
      %dma_wait3A_344 = tpu.memref_slice %arg3[%dma_wait3A_342, %dma_wait3A_343] : memref<2000000x64xf32, #tpu.memory_space<hbm>> -> memref<2000000x64xf32, #tpu.memory_space<hbm>>
      tpu.wait_indirect_dma semaphore(%arg13 : memref<!tpu.dma_semaphore, #tpu.memory_space<semaphore_mem>>) src(%dma_wait3A_344 : memref<2000000x64xf32, #tpu.memory_space<hbm>>) dst(%dma_wait3A_338 : memref<100x64xf32, #tpu.memory_space<vmem>>)
      %dma_wait3A_345 = arith.constant 1 : i32
      %dma_wait3A_346 = arith.constant 1 : i32
      %dma_wait3A_347 = arith.constant 0 : i32
      %dma_wait3A_348 = arith.constant 0 : i32
      %dma_wait3A_349 = tpu.memref_slice %arg9[%dma_wait3A_346, %dma_wait3A_347, %dma_wait3A_348] : memref<2x100x64xf32, #tpu.memory_space<vmem>> -> memref<1x100x64xf32, #tpu.memory_space<vmem>>
      %dma_wait3A_350 = tpu.memref_squeeze %dma_wait3A_349 : memref<1x100x64xf32, #tpu.memory_space<vmem>> -> memref<100x64xf32, #tpu.memory_space<vmem>>
      %dma_wait3A_351 = arith.constant 0 : i32
      %dma_wait3A_352 = tpu.memref_slice %arg6[%add3A_332, %dma_wait3A_345, %dma_wait3A_351] : memref<128x2x100xi32, #tpu.memory_space<vmem>> -> memref<1x1x100xi32, #tpu.memory_space<vmem>>
      %dma_wait3A_353 = tpu.memref_squeeze %dma_wait3A_352 : memref<1x1x100xi32, #tpu.memory_space<vmem>> -> memref<100xi32, #tpu.memory_space<vmem>>
      %dma_wait3A_354 = arith.constant 0 : i32
      %dma_wait3A_355 = arith.constant 0 : i32
      %dma_wait3A_356 = tpu.memref_slice %arg3[%dma_wait3A_354, %dma_wait3A_355] : memref<2000000x64xf32, #tpu.memory_space<hbm>> -> memref<2000000x64xf32, #tpu.memory_space<hbm>>
      tpu.wait_indirect_dma semaphore(%arg13 : memref<!tpu.dma_semaphore, #tpu.memory_space<semaphore_mem>>) src(%dma_wait3A_356 : memref<2000000x64xf32, #tpu.memory_space<hbm>>) dst(%dma_wait3A_350 : memref<100x64xf32, #tpu.memory_space<vmem>>)
      %scan3A_357 = arith.constant 0 : i32
      %scan3A_358 = arith.constant 100 : i32
      %scan3A_359 = arith.addi %scan3A_357, %scan3A_358 : i32
      %scan3A_360 = arith.constant 1 : i32
      scf.for %scan3A_534 = %scan3A_357 to %scan3A_359 step %scan3A_360  : i32 {
        %get3A = arith.constant 0 : i32
        %get3A_535 = arith.index_cast %get3A : i32 to index
        %get3A_536 = arith.index_cast %scan3A_534 : i32 to index
        %get3A_537 = arith.constant 0 : index
        %get3A_538 = tpu.vector_load %arg7[%get3A_535, %get3A_536, %get3A_537] {strides = array<i32>} : memref<2x100x64xf32, #tpu.memory_space<vmem>>, vector<1x1x16xf32>,
        %get3A_539 = vector.shape_cast %get3A_538 : vector<1x1x16xf32> to vector<16xf32>
        %swap3A = arith.constant 0 : i32
        %swap3A_540 = arith.index_cast %swap3A : i32 to index
        %swap3A_541 = arith.index_cast %scan3A_534 : i32 to index
        %swap3A_542 = arith.constant 0 : index
        %swap3A_543 = tpu.vector_load %arg9[%swap3A_540, %swap3A_541, %swap3A_542] {strides = array<i32>} : memref<2x100x64xf32, #tpu.memory_space<vmem>>, vector<1x1x16xf32>,
        %swap3A_544 = vector.shape_cast %swap3A_543 : vector<1x1x16xf32> to vector<16xf32>
        %swap3A_545 = vector.shape_cast %get3A_539 : vector<16xf32> to vector<1x1x16xf32>
        tpu.vector_store %arg9[%swap3A_540, %swap3A_541, %swap3A_542], %swap3A_545 {add = true, strides = array<i32>} : memref<2x100x64xf32, #tpu.memory_space<vmem>>, vector<1x1x16xf32>,
        %get3A_546 = arith.constant 0 : i32
        %get3A_547 = arith.index_cast %get3A_546 : i32 to index
        %get3A_548 = arith.index_cast %scan3A_534 : i32 to index
        %get3A_549 = arith.constant 16 : index
        %get3A_550 = tpu.vector_load %arg7[%get3A_547, %get3A_548, %get3A_549] {strides = array<i32>} : memref<2x100x64xf32, #tpu.memory_space<vmem>>, vector<1x1x16xf32>,
        %get3A_551 = vector.shape_cast %get3A_550 : vector<1x1x16xf32> to vector<16xf32>
        %swap3A_552 = arith.constant 0 : i32
        %swap3A_553 = arith.index_cast %swap3A_552 : i32 to index
        %swap3A_554 = arith.index_cast %scan3A_534 : i32 to index
        %swap3A_555 = arith.constant 16 : index
        %swap3A_556 = tpu.vector_load %arg9[%swap3A_553, %swap3A_554, %swap3A_555] {strides = array<i32>} : memref<2x100x64xf32, #tpu.memory_space<vmem>>, vector<1x1x16xf32>,
        %swap3A_557 = vector.shape_cast %swap3A_556 : vector<1x1x16xf32> to vector<16xf32>
        %swap3A_558 = vector.shape_cast %get3A_551 : vector<16xf32> to vector<1x1x16xf32>
        tpu.vector_store %arg9[%swap3A_553, %swap3A_554, %swap3A_555], %swap3A_558 {add = true, strides = array<i32>} : memref<2x100x64xf32, #tpu.memory_space<vmem>>, vector<1x1x16xf32>,
        %get3A_559 = arith.constant 0 : i32
        %get3A_560 = arith.index_cast %get3A_559 : i32 to index
        %get3A_561 = arith.index_cast %scan3A_534 : i32 to index
        %get3A_562 = arith.constant 32 : index
        %get3A_563 = tpu.vector_load %arg7[%get3A_560, %get3A_561, %get3A_562] {strides = array<i32>} : memref<2x100x64xf32, #tpu.memory_space<vmem>>, vector<1x1x16xf32>,
        %get3A_564 = vector.shape_cast %get3A_563 : vector<1x1x16xf32> to vector<16xf32>
        %swap3A_565 = arith.constant 0 : i32
        %swap3A_566 = arith.index_cast %swap3A_565 : i32 to index
        %swap3A_567 = arith.index_cast %scan3A_534 : i32 to index
        %swap3A_568 = arith.constant 32 : index
        %swap3A_569 = tpu.vector_load %arg9[%swap3A_566, %swap3A_567, %swap3A_568] {strides = array<i32>} : memref<2x100x64xf32, #tpu.memory_space<vmem>>, vector<1x1x16xf32>,
        %swap3A_570 = vector.shape_cast %swap3A_569 : vector<1x1x16xf32> to vector<16xf32>
        %swap3A_571 = vector.shape_cast %get3A_564 : vector<16xf32> to vector<1x1x16xf32>
        tpu.vector_store %arg9[%swap3A_566, %swap3A_567, %swap3A_568], %swap3A_571 {add = true, strides = array<i32>} : memref<2x100x64xf32, #tpu.memory_space<vmem>>, vector<1x1x16xf32>,
        %get3A_572 = arith.constant 0 : i32
        %get3A_573 = arith.index_cast %get3A_572 : i32 to index
        %get3A_574 = arith.index_cast %scan3A_534 : i32 to index
        %get3A_575 = arith.constant 48 : index
        %get3A_576 = tpu.vector_load %arg7[%get3A_573, %get3A_574, %get3A_575] {strides = array<i32>} : memref<2x100x64xf32, #tpu.memory_space<vmem>>, vector<1x1x16xf32>,
        %get3A_577 = vector.shape_cast %get3A_576 : vector<1x1x16xf32> to vector<16xf32>
        %swap3A_578 = arith.constant 0 : i32
        %swap3A_579 = arith.index_cast %swap3A_578 : i32 to index
        %swap3A_580 = arith.index_cast %scan3A_534 : i32 to index
        %swap3A_581 = arith.constant 48 : index
        %swap3A_582 = tpu.vector_load %arg9[%swap3A_579, %swap3A_580, %swap3A_581] {strides = array<i32>} : memref<2x100x64xf32, #tpu.memory_space<vmem>>, vector<1x1x16xf32>,
        %swap3A_583 = vector.shape_cast %swap3A_582 : vector<1x1x16xf32> to vector<16xf32>
        %swap3A_584 = vector.shape_cast %get3A_577 : vector<16xf32> to vector<1x1x16xf32>
        tpu.vector_store %arg9[%swap3A_579, %swap3A_580, %swap3A_581], %swap3A_584 {add = true, strides = array<i32>} : memref<2x100x64xf32, #tpu.memory_space<vmem>>, vector<1x1x16xf32>,
        %get3A_585 = arith.constant 1 : i32
        %get3A_586 = arith.index_cast %get3A_585 : i32 to index
        %get3A_587 = arith.index_cast %scan3A_534 : i32 to index
        %get3A_588 = arith.constant 0 : index
        %get3A_589 = tpu.vector_load %arg7[%get3A_586, %get3A_587, %get3A_588] {strides = array<i32>} : memref<2x100x64xf32, #tpu.memory_space<vmem>>, vector<1x1x16xf32>,
        %get3A_590 = vector.shape_cast %get3A_589 : vector<1x1x16xf32> to vector<16xf32>
        %swap3A_591 = arith.constant 1 : i32
        %swap3A_592 = arith.index_cast %swap3A_591 : i32 to index
        %swap3A_593 = arith.index_cast %scan3A_534 : i32 to index
        %swap3A_594 = arith.constant 0 : index
        %swap3A_595 = tpu.vector_load %arg9[%swap3A_592, %swap3A_593, %swap3A_594] {strides = array<i32>} : memref<2x100x64xf32, #tpu.memory_space<vmem>>, vector<1x1x16xf32>,
        %swap3A_596 = vector.shape_cast %swap3A_595 : vector<1x1x16xf32> to vector<16xf32>
        %swap3A_597 = vector.shape_cast %get3A_590 : vector<16xf32> to vector<1x1x16xf32>
        tpu.vector_store %arg9[%swap3A_592, %swap3A_593, %swap3A_594], %swap3A_597 {add = true, strides = array<i32>} : memref<2x100x64xf32, #tpu.memory_space<vmem>>, vector<1x1x16xf32>,
        %get3A_598 = arith.constant 1 : i32
        %get3A_599 = arith.index_cast %get3A_598 : i32 to index
        %get3A_600 = arith.index_cast %scan3A_534 : i32 to index
        %get3A_601 = arith.constant 16 : index
        %get3A_602 = tpu.vector_load %arg7[%get3A_599, %get3A_600, %get3A_601] {strides = array<i32>} : memref<2x100x64xf32, #tpu.memory_space<vmem>>, vector<1x1x16xf32>,
        %get3A_603 = vector.shape_cast %get3A_602 : vector<1x1x16xf32> to vector<16xf32>
        %swap3A_604 = arith.constant 1 : i32
        %swap3A_605 = arith.index_cast %swap3A_604 : i32 to index
        %swap3A_606 = arith.index_cast %scan3A_534 : i32 to index
        %swap3A_607 = arith.constant 16 : index
        %swap3A_608 = tpu.vector_load %arg9[%swap3A_605, %swap3A_606, %swap3A_607] {strides = array<i32>} : memref<2x100x64xf32, #tpu.memory_space<vmem>>, vector<1x1x16xf32>,
        %swap3A_609 = vector.shape_cast %swap3A_608 : vector<1x1x16xf32> to vector<16xf32>
        %swap3A_610 = vector.shape_cast %get3A_603 : vector<16xf32> to vector<1x1x16xf32>
        tpu.vector_store %arg9[%swap3A_605, %swap3A_606, %swap3A_607], %swap3A_610 {add = true, strides = array<i32>} : memref<2x100x64xf32, #tpu.memory_space<vmem>>, vector<1x1x16xf32>,
        %get3A_611 = arith.constant 1 : i32
        %get3A_612 = arith.index_cast %get3A_611 : i32 to index
        %get3A_613 = arith.index_cast %scan3A_534 : i32 to index
        %get3A_614 = arith.constant 32 : index
        %get3A_615 = tpu.vector_load %arg7[%get3A_612, %get3A_613, %get3A_614] {strides = array<i32>} : memref<2x100x64xf32, #tpu.memory_space<vmem>>, vector<1x1x16xf32>,
        %get3A_616 = vector.shape_cast %get3A_615 : vector<1x1x16xf32> to vector<16xf32>
        %swap3A_617 = arith.constant 1 : i32
        %swap3A_618 = arith.index_cast %swap3A_617 : i32 to index
        %swap3A_619 = arith.index_cast %scan3A_534 : i32 to index
        %swap3A_620 = arith.constant 32 : index
        %swap3A_621 = tpu.vector_load %arg9[%swap3A_618, %swap3A_619, %swap3A_620] {strides = array<i32>} : memref<2x100x64xf32, #tpu.memory_space<vmem>>, vector<1x1x16xf32>,
        %swap3A_622 = vector.shape_cast %swap3A_621 : vector<1x1x16xf32> to vector<16xf32>
        %swap3A_623 = vector.shape_cast %get3A_616 : vector<16xf32> to vector<1x1x16xf32>
        tpu.vector_store %arg9[%swap3A_618, %swap3A_619, %swap3A_620], %swap3A_623 {add = true, strides = array<i32>} : memref<2x100x64xf32, #tpu.memory_space<vmem>>, vector<1x1x16xf32>,
        %get3A_624 = arith.constant 1 : i32
        %get3A_625 = arith.index_cast %get3A_624 : i32 to index
        %get3A_626 = arith.index_cast %scan3A_534 : i32 to index
        %get3A_627 = arith.constant 48 : index
        %get3A_628 = tpu.vector_load %arg7[%get3A_625, %get3A_626, %get3A_627] {strides = array<i32>} : memref<2x100x64xf32, #tpu.memory_space<vmem>>, vector<1x1x16xf32>,
        %get3A_629 = vector.shape_cast %get3A_628 : vector<1x1x16xf32> to vector<16xf32>
        %swap3A_630 = arith.constant 1 : i32
        %swap3A_631 = arith.index_cast %swap3A_630 : i32 to index
        %swap3A_632 = arith.index_cast %scan3A_534 : i32 to index
        %swap3A_633 = arith.constant 48 : index
        %swap3A_634 = tpu.vector_load %arg9[%swap3A_631, %swap3A_632, %swap3A_633] {strides = array<i32>} : memref<2x100x64xf32, #tpu.memory_space<vmem>>, vector<1x1x16xf32>,
        %swap3A_635 = vector.shape_cast %swap3A_634 : vector<1x1x16xf32> to vector<16xf32>
        %swap3A_636 = vector.shape_cast %get3A_629 : vector<16xf32> to vector<1x1x16xf32>
        tpu.vector_store %arg9[%swap3A_631, %swap3A_632, %swap3A_633], %swap3A_636 {add = true, strides = array<i32>} : memref<2x100x64xf32, #tpu.memory_space<vmem>>, vector<1x1x16xf32>,
      }
      %scan3A_361 = arith.constant 100 : i32
      %add3A_362 = arith.addi %mul3A_2, %add3A_332 : i32
      %dma_start3A_363 = arith.constant 0 : i32
      %dma_start3A_364 = arith.constant 0 : i32
      %dma_start3A_365 = arith.constant 0 : i32
      %dma_start3A_366 = tpu.memref_slice %arg9[%dma_start3A_363, %dma_start3A_364, %dma_start3A_365] : memref<2x100x64xf32, #tpu.memory_space<vmem>> -> memref<1x100x64xf32, #tpu.memory_space<vmem>>
      %dma_start3A_367 = tpu.memref_squeeze %dma_start3A_366 : memref<1x100x64xf32, #tpu.memory_space<vmem>> -> memref<100x64xf32, #tpu.memory_space<vmem>>
      %dma_start3A_368 = arith.constant 0 : i32
      %dma_start3A_369 = arith.constant 0 : i32
      %dma_start3A_370 = tpu.memref_slice %arg5[%add3A_362, %dma_start3A_368, %dma_start3A_369] : memref<4096x100x128xf32, #tpu.memory_space<hbm>> -> memref<1x100x64xf32, #tpu.memory_space<hbm>>
      %dma_start3A_371 = tpu.memref_squeeze %dma_start3A_370 : memref<1x100x64xf32, #tpu.memory_space<hbm>> -> memref<100x64xf32, #tpu.memory_space<hbm>>
      %dma_start3A_372 = arith.constant 0 : i32
      %dma_start3A_373 = arith.constant 0 : i32
      %dma_start3A_374 = tpu.memref_slice %arg5[%add3A_362, %dma_start3A_372, %dma_start3A_373] : memref<4096x100x128xf32, #tpu.memory_space<hbm>> -> memref<1x100x64xf32, #tpu.memory_space<hbm>>
      %dma_start3A_375 = tpu.memref_squeeze %dma_start3A_374 : memref<1x100x64xf32, #tpu.memory_space<hbm>> -> memref<100x64xf32, #tpu.memory_space<hbm>>
      %dma_start3A_376 = arith.constant 0 : i32
      %dma_start3A_377 = arith.constant 0 : i32
      %dma_start3A_378 = tpu.memref_slice %arg9[%dma_start3A_363, %dma_start3A_376, %dma_start3A_377] : memref<2x100x64xf32, #tpu.memory_space<vmem>> -> memref<1x100x64xf32, #tpu.memory_space<vmem>>
      %dma_start3A_379 = tpu.memref_squeeze %dma_start3A_378 : memref<1x100x64xf32, #tpu.memory_space<vmem>> -> memref<100x64xf32, #tpu.memory_space<vmem>>
      tpu.enqueue_dma source(%dma_start3A_379 : memref<100x64xf32, #tpu.memory_space<vmem>>) target(%dma_start3A_375 : memref<100x64xf32, #tpu.memory_space<hbm>>) target_semaphore(%arg17 : memref<!tpu.dma_semaphore, #tpu.memory_space<semaphore_mem>>)
      %add3A_380 = arith.addi %mul3A_2, %add3A_332 : i32
      %dma_start3A_381 = arith.constant 1 : i32
      %dma_start3A_382 = arith.constant 0 : i32
      %dma_start3A_383 = arith.constant 0 : i32
      %dma_start3A_384 = tpu.memref_slice %arg9[%dma_start3A_381, %dma_start3A_382, %dma_start3A_383] : memref<2x100x64xf32, #tpu.memory_space<vmem>> -> memref<1x100x64xf32, #tpu.memory_space<vmem>>
      %dma_start3A_385 = tpu.memref_squeeze %dma_start3A_384 : memref<1x100x64xf32, #tpu.memory_space<vmem>> -> memref<100x64xf32, #tpu.memory_space<vmem>>
      %dma_start3A_386 = arith.constant 0 : i32
      %dma_start3A_387 = arith.constant 64 : i32
      %dma_start3A_388 = tpu.memref_slice %arg5[%add3A_380, %dma_start3A_386, %dma_start3A_387] : memref<4096x100x128xf32, #tpu.memory_space<hbm>> -> memref<1x100x64xf32, #tpu.memory_space<hbm>>
      %dma_start3A_389 = tpu.memref_squeeze %dma_start3A_388 : memref<1x100x64xf32, #tpu.memory_space<hbm>> -> memref<100x64xf32, #tpu.memory_space<hbm>>
      %dma_start3A_390 = arith.constant 0 : i32
      %dma_start3A_391 = arith.constant 64 : i32
      %dma_start3A_392 = tpu.memref_slice %arg5[%add3A_380, %dma_start3A_390, %dma_start3A_391] : memref<4096x100x128xf32, #tpu.memory_space<hbm>> -> memref<1x100x64xf32, #tpu.memory_space<hbm>>
      %dma_start3A_393 = tpu.memref_squeeze %dma_start3A_392 : memref<1x100x64xf32, #tpu.memory_space<hbm>> -> memref<100x64xf32, #tpu.memory_space<hbm>>
      %dma_start3A_394 = arith.constant 0 : i32
      %dma_start3A_395 = arith.constant 0 : i32
      %dma_start3A_396 = tpu.memref_slice %arg9[%dma_start3A_381, %dma_start3A_394, %dma_start3A_395] : memref<2x100x64xf32, #tpu.memory_space<vmem>> -> memref<1x100x64xf32, #tpu.memory_space<vmem>>
      %dma_start3A_397 = tpu.memref_squeeze %dma_start3A_396 : memref<1x100x64xf32, #tpu.memory_space<vmem>> -> memref<100x64xf32, #tpu.memory_space<vmem>>
      tpu.enqueue_dma source(%dma_start3A_397 : memref<100x64xf32, #tpu.memory_space<vmem>>) target(%dma_start3A_393 : memref<100x64xf32, #tpu.memory_space<hbm>>) target_semaphore(%arg17 : memref<!tpu.dma_semaphore, #tpu.memory_space<semaphore_mem>>)
      %add3A_398 = arith.constant 2 : i32
      %add3A_399 = arith.addi %mul3A_263, %add3A_398 : i32
      %dma_wait3A_400 = arith.constant 0 : i32
      %dma_wait3A_401 = arith.constant 0 : i32
      %dma_wait3A_402 = arith.constant 0 : i32
      %dma_wait3A_403 = arith.constant 0 : i32
      %dma_wait3A_404 = tpu.memref_slice %arg10[%dma_wait3A_401, %dma_wait3A_402, %dma_wait3A_403] : memref<2x100x64xf32, #tpu.memory_space<vmem>> -> memref<1x100x64xf32, #tpu.memory_space<vmem>>
      %dma_wait3A_405 = tpu.memref_squeeze %dma_wait3A_404 : memref<1x100x64xf32, #tpu.memory_space<vmem>> -> memref<100x64xf32, #tpu.memory_space<vmem>>
      %dma_wait3A_406 = arith.constant 0 : i32
      %dma_wait3A_407 = tpu.memref_slice %arg6[%add3A_399, %dma_wait3A_400, %dma_wait3A_406] : memref<128x2x100xi32, #tpu.memory_space<vmem>> -> memref<1x1x100xi32, #tpu.memory_space<vmem>>
      %dma_wait3A_408 = tpu.memref_squeeze %dma_wait3A_407 : memref<1x1x100xi32, #tpu.memory_space<vmem>> -> memref<100xi32, #tpu.memory_space<vmem>>
      %dma_wait3A_409 = arith.constant 0 : i32
      %dma_wait3A_410 = arith.constant 0 : i32
      %dma_wait3A_411 = tpu.memref_slice %arg3[%dma_wait3A_409, %dma_wait3A_410] : memref<2000000x64xf32, #tpu.memory_space<hbm>> -> memref<2000000x64xf32, #tpu.memory_space<hbm>>
      tpu.wait_indirect_dma semaphore(%arg14 : memref<!tpu.dma_semaphore, #tpu.memory_space<semaphore_mem>>) src(%dma_wait3A_411 : memref<2000000x64xf32, #tpu.memory_space<hbm>>) dst(%dma_wait3A_405 : memref<100x64xf32, #tpu.memory_space<vmem>>)
      %dma_wait3A_412 = arith.constant 1 : i32
      %dma_wait3A_413 = arith.constant 1 : i32
      %dma_wait3A_414 = arith.constant 0 : i32
      %dma_wait3A_415 = arith.constant 0 : i32
      %dma_wait3A_416 = tpu.memref_slice %arg10[%dma_wait3A_413, %dma_wait3A_414, %dma_wait3A_415] : memref<2x100x64xf32, #tpu.memory_space<vmem>> -> memref<1x100x64xf32, #tpu.memory_space<vmem>>
      %dma_wait3A_417 = tpu.memref_squeeze %dma_wait3A_416 : memref<1x100x64xf32, #tpu.memory_space<vmem>> -> memref<100x64xf32, #tpu.memory_space<vmem>>
      %dma_wait3A_418 = arith.constant 0 : i32
      %dma_wait3A_419 = tpu.memref_slice %arg6[%add3A_399, %dma_wait3A_412, %dma_wait3A_418] : memref<128x2x100xi32, #tpu.memory_space<vmem>> -> memref<1x1x100xi32, #tpu.memory_space<vmem>>
      %dma_wait3A_420 = tpu.memref_squeeze %dma_wait3A_419 : memref<1x1x100xi32, #tpu.memory_space<vmem>> -> memref<100xi32, #tpu.memory_space<vmem>>
      %dma_wait3A_421 = arith.constant 0 : i32
      %dma_wait3A_422 = arith.constant 0 : i32
      %dma_wait3A_423 = tpu.memref_slice %arg3[%dma_wait3A_421, %dma_wait3A_422] : memref<2000000x64xf32, #tpu.memory_space<hbm>> -> memref<2000000x64xf32, #tpu.memory_space<hbm>>
      tpu.wait_indirect_dma semaphore(%arg14 : memref<!tpu.dma_semaphore, #tpu.memory_space<semaphore_mem>>) src(%dma_wait3A_423 : memref<2000000x64xf32, #tpu.memory_space<hbm>>) dst(%dma_wait3A_417 : memref<100x64xf32, #tpu.memory_space<vmem>>)
      %scan3A_424 = arith.constant 0 : i32
      %scan3A_425 = arith.constant 100 : i32
      %scan3A_426 = arith.addi %scan3A_424, %scan3A_425 : i32
      %scan3A_427 = arith.constant 1 : i32
      scf.for %scan3A_534 = %scan3A_424 to %scan3A_426 step %scan3A_427  : i32 {
        %get3A = arith.constant 0 : i32
        %get3A_535 = arith.index_cast %get3A : i32 to index
        %get3A_536 = arith.index_cast %scan3A_534 : i32 to index
        %get3A_537 = arith.constant 0 : index
        %get3A_538 = tpu.vector_load %arg7[%get3A_535, %get3A_536, %get3A_537] {strides = array<i32>} : memref<2x100x64xf32, #tpu.memory_space<vmem>>, vector<1x1x16xf32>,
        %get3A_539 = vector.shape_cast %get3A_538 : vector<1x1x16xf32> to vector<16xf32>
        %swap3A = arith.constant 0 : i32
        %swap3A_540 = arith.index_cast %swap3A : i32 to index
        %swap3A_541 = arith.index_cast %scan3A_534 : i32 to index
        %swap3A_542 = arith.constant 0 : index
        %swap3A_543 = tpu.vector_load %arg10[%swap3A_540, %swap3A_541, %swap3A_542] {strides = array<i32>} : memref<2x100x64xf32, #tpu.memory_space<vmem>>, vector<1x1x16xf32>,
        %swap3A_544 = vector.shape_cast %swap3A_543 : vector<1x1x16xf32> to vector<16xf32>
        %swap3A_545 = vector.shape_cast %get3A_539 : vector<16xf32> to vector<1x1x16xf32>
        tpu.vector_store %arg10[%swap3A_540, %swap3A_541, %swap3A_542], %swap3A_545 {add = true, strides = array<i32>} : memref<2x100x64xf32, #tpu.memory_space<vmem>>, vector<1x1x16xf32>,
        %get3A_546 = arith.constant 0 : i32
        %get3A_547 = arith.index_cast %get3A_546 : i32 to index
        %get3A_548 = arith.index_cast %scan3A_534 : i32 to index
        %get3A_549 = arith.constant 16 : index
        %get3A_550 = tpu.vector_load %arg7[%get3A_547, %get3A_548, %get3A_549] {strides = array<i32>} : memref<2x100x64xf32, #tpu.memory_space<vmem>>, vector<1x1x16xf32>,
        %get3A_551 = vector.shape_cast %get3A_550 : vector<1x1x16xf32> to vector<16xf32>
        %swap3A_552 = arith.constant 0 : i32
        %swap3A_553 = arith.index_cast %swap3A_552 : i32 to index
        %swap3A_554 = arith.index_cast %scan3A_534 : i32 to index
        %swap3A_555 = arith.constant 16 : index
        %swap3A_556 = tpu.vector_load %arg10[%swap3A_553, %swap3A_554, %swap3A_555] {strides = array<i32>} : memref<2x100x64xf32, #tpu.memory_space<vmem>>, vector<1x1x16xf32>,
        %swap3A_557 = vector.shape_cast %swap3A_556 : vector<1x1x16xf32> to vector<16xf32>
        %swap3A_558 = vector.shape_cast %get3A_551 : vector<16xf32> to vector<1x1x16xf32>
        tpu.vector_store %arg10[%swap3A_553, %swap3A_554, %swap3A_555], %swap3A_558 {add = true, strides = array<i32>} : memref<2x100x64xf32, #tpu.memory_space<vmem>>, vector<1x1x16xf32>,
        %get3A_559 = arith.constant 0 : i32
        %get3A_560 = arith.index_cast %get3A_559 : i32 to index
        %get3A_561 = arith.index_cast %scan3A_534 : i32 to index
        %get3A_562 = arith.constant 32 : index
        %get3A_563 = tpu.vector_load %arg7[%get3A_560, %get3A_561, %get3A_562] {strides = array<i32>} : memref<2x100x64xf32, #tpu.memory_space<vmem>>, vector<1x1x16xf32>,
        %get3A_564 = vector.shape_cast %get3A_563 : vector<1x1x16xf32> to vector<16xf32>
        %swap3A_565 = arith.constant 0 : i32
        %swap3A_566 = arith.index_cast %swap3A_565 : i32 to index
        %swap3A_567 = arith.index_cast %scan3A_534 : i32 to index
        %swap3A_568 = arith.constant 32 : index
        %swap3A_569 = tpu.vector_load %arg10[%swap3A_566, %swap3A_567, %swap3A_568] {strides = array<i32>} : memref<2x100x64xf32, #tpu.memory_space<vmem>>, vector<1x1x16xf32>,
        %swap3A_570 = vector.shape_cast %swap3A_569 : vector<1x1x16xf32> to vector<16xf32>
        %swap3A_571 = vector.shape_cast %get3A_564 : vector<16xf32> to vector<1x1x16xf32>
        tpu.vector_store %arg10[%swap3A_566, %swap3A_567, %swap3A_568], %swap3A_571 {add = true, strides = array<i32>} : memref<2x100x64xf32, #tpu.memory_space<vmem>>, vector<1x1x16xf32>,
        %get3A_572 = arith.constant 0 : i32
        %get3A_573 = arith.index_cast %get3A_572 : i32 to index
        %get3A_574 = arith.index_cast %scan3A_534 : i32 to index
        %get3A_575 = arith.constant 48 : index
        %get3A_576 = tpu.vector_load %arg7[%get3A_573, %get3A_574, %get3A_575] {strides = array<i32>} : memref<2x100x64xf32, #tpu.memory_space<vmem>>, vector<1x1x16xf32>,
        %get3A_577 = vector.shape_cast %get3A_576 : vector<1x1x16xf32> to vector<16xf32>
        %swap3A_578 = arith.constant 0 : i32
        %swap3A_579 = arith.index_cast %swap3A_578 : i32 to index
        %swap3A_580 = arith.index_cast %scan3A_534 : i32 to index
        %swap3A_581 = arith.constant 48 : index
        %swap3A_582 = tpu.vector_load %arg10[%swap3A_579, %swap3A_580, %swap3A_581] {strides = array<i32>} : memref<2x100x64xf32, #tpu.memory_space<vmem>>, vector<1x1x16xf32>,
        %swap3A_583 = vector.shape_cast %swap3A_582 : vector<1x1x16xf32> to vector<16xf32>
        %swap3A_584 = vector.shape_cast %get3A_577 : vector<16xf32> to vector<1x1x16xf32>
        tpu.vector_store %arg10[%swap3A_579, %swap3A_580, %swap3A_581], %swap3A_584 {add = true, strides = array<i32>} : memref<2x100x64xf32, #tpu.memory_space<vmem>>, vector<1x1x16xf32>,
        %get3A_585 = arith.constant 1 : i32
        %get3A_586 = arith.index_cast %get3A_585 : i32 to index
        %get3A_587 = arith.index_cast %scan3A_534 : i32 to index
        %get3A_588 = arith.constant 0 : index
        %get3A_589 = tpu.vector_load %arg7[%get3A_586, %get3A_587, %get3A_588] {strides = array<i32>} : memref<2x100x64xf32, #tpu.memory_space<vmem>>, vector<1x1x16xf32>,
        %get3A_590 = vector.shape_cast %get3A_589 : vector<1x1x16xf32> to vector<16xf32>
        %swap3A_591 = arith.constant 1 : i32
        %swap3A_592 = arith.index_cast %swap3A_591 : i32 to index
        %swap3A_593 = arith.index_cast %scan3A_534 : i32 to index
        %swap3A_594 = arith.constant 0 : index
        %swap3A_595 = tpu.vector_load %arg10[%swap3A_592, %swap3A_593, %swap3A_594] {strides = array<i32>} : memref<2x100x64xf32, #tpu.memory_space<vmem>>, vector<1x1x16xf32>,
        %swap3A_596 = vector.shape_cast %swap3A_595 : vector<1x1x16xf32> to vector<16xf32>
        %swap3A_597 = vector.shape_cast %get3A_590 : vector<16xf32> to vector<1x1x16xf32>
        tpu.vector_store %arg10[%swap3A_592, %swap3A_593, %swap3A_594], %swap3A_597 {add = true, strides = array<i32>} : memref<2x100x64xf32, #tpu.memory_space<vmem>>, vector<1x1x16xf32>,
        %get3A_598 = arith.constant 1 : i32
        %get3A_599 = arith.index_cast %get3A_598 : i32 to index
        %get3A_600 = arith.index_cast %scan3A_534 : i32 to index
        %get3A_601 = arith.constant 16 : index
        %get3A_602 = tpu.vector_load %arg7[%get3A_599, %get3A_600, %get3A_601] {strides = array<i32>} : memref<2x100x64xf32, #tpu.memory_space<vmem>>, vector<1x1x16xf32>,
        %get3A_603 = vector.shape_cast %get3A_602 : vector<1x1x16xf32> to vector<16xf32>
        %swap3A_604 = arith.constant 1 : i32
        %swap3A_605 = arith.index_cast %swap3A_604 : i32 to index
        %swap3A_606 = arith.index_cast %scan3A_534 : i32 to index
        %swap3A_607 = arith.constant 16 : index
        %swap3A_608 = tpu.vector_load %arg10[%swap3A_605, %swap3A_606, %swap3A_607] {strides = array<i32>} : memref<2x100x64xf32, #tpu.memory_space<vmem>>, vector<1x1x16xf32>,
        %swap3A_609 = vector.shape_cast %swap3A_608 : vector<1x1x16xf32> to vector<16xf32>
        %swap3A_610 = vector.shape_cast %get3A_603 : vector<16xf32> to vector<1x1x16xf32>
        tpu.vector_store %arg10[%swap3A_605, %swap3A_606, %swap3A_607], %swap3A_610 {add = true, strides = array<i32>} : memref<2x100x64xf32, #tpu.memory_space<vmem>>, vector<1x1x16xf32>,
        %get3A_611 = arith.constant 1 : i32
        %get3A_612 = arith.index_cast %get3A_611 : i32 to index
        %get3A_613 = arith.index_cast %scan3A_534 : i32 to index
        %get3A_614 = arith.constant 32 : index
        %get3A_615 = tpu.vector_load %arg7[%get3A_612, %get3A_613, %get3A_614] {strides = array<i32>} : memref<2x100x64xf32, #tpu.memory_space<vmem>>, vector<1x1x16xf32>,
        %get3A_616 = vector.shape_cast %get3A_615 : vector<1x1x16xf32> to vector<16xf32>
        %swap3A_617 = arith.constant 1 : i32
        %swap3A_618 = arith.index_cast %swap3A_617 : i32 to index
        %swap3A_619 = arith.index_cast %scan3A_534 : i32 to index
        %swap3A_620 = arith.constant 32 : index
        %swap3A_621 = tpu.vector_load %arg10[%swap3A_618, %swap3A_619, %swap3A_620] {strides = array<i32>} : memref<2x100x64xf32, #tpu.memory_space<vmem>>, vector<1x1x16xf32>,
        %swap3A_622 = vector.shape_cast %swap3A_621 : vector<1x1x16xf32> to vector<16xf32>
        %swap3A_623 = vector.shape_cast %get3A_616 : vector<16xf32> to vector<1x1x16xf32>
        tpu.vector_store %arg10[%swap3A_618, %swap3A_619, %swap3A_620], %swap3A_623 {add = true, strides = array<i32>} : memref<2x100x64xf32, #tpu.memory_space<vmem>>, vector<1x1x16xf32>,
        %get3A_624 = arith.constant 1 : i32
        %get3A_625 = arith.index_cast %get3A_624 : i32 to index
        %get3A_626 = arith.index_cast %scan3A_534 : i32 to index
        %get3A_627 = arith.constant 48 : index
        %get3A_628 = tpu.vector_load %arg7[%get3A_625, %get3A_626, %get3A_627] {strides = array<i32>} : memref<2x100x64xf32, #tpu.memory_space<vmem>>, vector<1x1x16xf32>,
        %get3A_629 = vector.shape_cast %get3A_628 : vector<1x1x16xf32> to vector<16xf32>
        %swap3A_630 = arith.constant 1 : i32
        %swap3A_631 = arith.index_cast %swap3A_630 : i32 to index
        %swap3A_632 = arith.index_cast %scan3A_534 : i32 to index
        %swap3A_633 = arith.constant 48 : index
        %swap3A_634 = tpu.vector_load %arg10[%swap3A_631, %swap3A_632, %swap3A_633] {strides = array<i32>} : memref<2x100x64xf32, #tpu.memory_space<vmem>>, vector<1x1x16xf32>,
        %swap3A_635 = vector.shape_cast %swap3A_634 : vector<1x1x16xf32> to vector<16xf32>
        %swap3A_636 = vector.shape_cast %get3A_629 : vector<16xf32> to vector<1x1x16xf32>
        tpu.vector_store %arg10[%swap3A_631, %swap3A_632, %swap3A_633], %swap3A_636 {add = true, strides = array<i32>} : memref<2x100x64xf32, #tpu.memory_space<vmem>>, vector<1x1x16xf32>,
      }
      %scan3A_428 = arith.constant 100 : i32
      %add3A_429 = arith.addi %mul3A_2, %add3A_399 : i32
      %dma_start3A_430 = arith.constant 0 : i32
      %dma_start3A_431 = arith.constant 0 : i32
      %dma_start3A_432 = arith.constant 0 : i32
      %dma_start3A_433 = tpu.memref_slice %arg10[%dma_start3A_430, %dma_start3A_431, %dma_start3A_432] : memref<2x100x64xf32, #tpu.memory_space<vmem>> -> memref<1x100x64xf32, #tpu.memory_space<vmem>>
      %dma_start3A_434 = tpu.memref_squeeze %dma_start3A_433 : memref<1x100x64xf32, #tpu.memory_space<vmem>> -> memref<100x64xf32, #tpu.memory_space<vmem>>
      %dma_start3A_435 = arith.constant 0 : i32
      %dma_start3A_436 = arith.constant 0 : i32
      %dma_start3A_437 = tpu.memref_slice %arg5[%add3A_429, %dma_start3A_435, %dma_start3A_436] : memref<4096x100x128xf32, #tpu.memory_space<hbm>> -> memref<1x100x64xf32, #tpu.memory_space<hbm>>
      %dma_start3A_438 = tpu.memref_squeeze %dma_start3A_437 : memref<1x100x64xf32, #tpu.memory_space<hbm>> -> memref<100x64xf32, #tpu.memory_space<hbm>>
      %dma_start3A_439 = arith.constant 0 : i32
      %dma_start3A_440 = arith.constant 0 : i32
      %dma_start3A_441 = tpu.memref_slice %arg5[%add3A_429, %dma_start3A_439, %dma_start3A_440] : memref<4096x100x128xf32, #tpu.memory_space<hbm>> -> memref<1x100x64xf32, #tpu.memory_space<hbm>>
      %dma_start3A_442 = tpu.memref_squeeze %dma_start3A_441 : memref<1x100x64xf32, #tpu.memory_space<hbm>> -> memref<100x64xf32, #tpu.memory_space<hbm>>
      %dma_start3A_443 = arith.constant 0 : i32
      %dma_start3A_444 = arith.constant 0 : i32
      %dma_start3A_445 = tpu.memref_slice %arg10[%dma_start3A_430, %dma_start3A_443, %dma_start3A_444] : memref<2x100x64xf32, #tpu.memory_space<vmem>> -> memref<1x100x64xf32, #tpu.memory_space<vmem>>
      %dma_start3A_446 = tpu.memref_squeeze %dma_start3A_445 : memref<1x100x64xf32, #tpu.memory_space<vmem>> -> memref<100x64xf32, #tpu.memory_space<vmem>>
      tpu.enqueue_dma source(%dma_start3A_446 : memref<100x64xf32, #tpu.memory_space<vmem>>) target(%dma_start3A_442 : memref<100x64xf32, #tpu.memory_space<hbm>>) target_semaphore(%arg18 : memref<!tpu.dma_semaphore, #tpu.memory_space<semaphore_mem>>)
      %add3A_447 = arith.addi %mul3A_2, %add3A_399 : i32
      %dma_start3A_448 = arith.constant 1 : i32
      %dma_start3A_449 = arith.constant 0 : i32
      %dma_start3A_450 = arith.constant 0 : i32
      %dma_start3A_451 = tpu.memref_slice %arg10[%dma_start3A_448, %dma_start3A_449, %dma_start3A_450] : memref<2x100x64xf32, #tpu.memory_space<vmem>> -> memref<1x100x64xf32, #tpu.memory_space<vmem>>
      %dma_start3A_452 = tpu.memref_squeeze %dma_start3A_451 : memref<1x100x64xf32, #tpu.memory_space<vmem>> -> memref<100x64xf32, #tpu.memory_space<vmem>>
      %dma_start3A_453 = arith.constant 0 : i32
      %dma_start3A_454 = arith.constant 64 : i32
      %dma_start3A_455 = tpu.memref_slice %arg5[%add3A_447, %dma_start3A_453, %dma_start3A_454] : memref<4096x100x128xf32, #tpu.memory_space<hbm>> -> memref<1x100x64xf32, #tpu.memory_space<hbm>>
      %dma_start3A_456 = tpu.memref_squeeze %dma_start3A_455 : memref<1x100x64xf32, #tpu.memory_space<hbm>> -> memref<100x64xf32, #tpu.memory_space<hbm>>
      %dma_start3A_457 = arith.constant 0 : i32
      %dma_start3A_458 = arith.constant 64 : i32
      %dma_start3A_459 = tpu.memref_slice %arg5[%add3A_447, %dma_start3A_457, %dma_start3A_458] : memref<4096x100x128xf32, #tpu.memory_space<hbm>> -> memref<1x100x64xf32, #tpu.memory_space<hbm>>
      %dma_start3A_460 = tpu.memref_squeeze %dma_start3A_459 : memref<1x100x64xf32, #tpu.memory_space<hbm>> -> memref<100x64xf32, #tpu.memory_space<hbm>>
      %dma_start3A_461 = arith.constant 0 : i32
      %dma_start3A_462 = arith.constant 0 : i32
      %dma_start3A_463 = tpu.memref_slice %arg10[%dma_start3A_448, %dma_start3A_461, %dma_start3A_462] : memref<2x100x64xf32, #tpu.memory_space<vmem>> -> memref<1x100x64xf32, #tpu.memory_space<vmem>>
      %dma_start3A_464 = tpu.memref_squeeze %dma_start3A_463 : memref<1x100x64xf32, #tpu.memory_space<vmem>> -> memref<100x64xf32, #tpu.memory_space<vmem>>
      tpu.enqueue_dma source(%dma_start3A_464 : memref<100x64xf32, #tpu.memory_space<vmem>>) target(%dma_start3A_460 : memref<100x64xf32, #tpu.memory_space<hbm>>) target_semaphore(%arg18 : memref<!tpu.dma_semaphore, #tpu.memory_space<semaphore_mem>>)
      %add3A_465 = arith.constant 3 : i32
      %add3A_466 = arith.addi %mul3A_263, %add3A_465 : i32
      %dma_wait3A_467 = arith.constant 0 : i32
      %dma_wait3A_468 = arith.constant 0 : i32
      %dma_wait3A_469 = arith.constant 0 : i32
      %dma_wait3A_470 = arith.constant 0 : i32
      %dma_wait3A_471 = tpu.memref_slice %arg11[%dma_wait3A_468, %dma_wait3A_469, %dma_wait3A_470] : memref<2x100x64xf32, #tpu.memory_space<vmem>> -> memref<1x100x64xf32, #tpu.memory_space<vmem>>
      %dma_wait3A_472 = tpu.memref_squeeze %dma_wait3A_471 : memref<1x100x64xf32, #tpu.memory_space<vmem>> -> memref<100x64xf32, #tpu.memory_space<vmem>>
      %dma_wait3A_473 = arith.constant 0 : i32
      %dma_wait3A_474 = tpu.memref_slice %arg6[%add3A_466, %dma_wait3A_467, %dma_wait3A_473] : memref<128x2x100xi32, #tpu.memory_space<vmem>> -> memref<1x1x100xi32, #tpu.memory_space<vmem>>
      %dma_wait3A_475 = tpu.memref_squeeze %dma_wait3A_474 : memref<1x1x100xi32, #tpu.memory_space<vmem>> -> memref<100xi32, #tpu.memory_space<vmem>>
      %dma_wait3A_476 = arith.constant 0 : i32
      %dma_wait3A_477 = arith.constant 0 : i32
      %dma_wait3A_478 = tpu.memref_slice %arg3[%dma_wait3A_476, %dma_wait3A_477] : memref<2000000x64xf32, #tpu.memory_space<hbm>> -> memref<2000000x64xf32, #tpu.memory_space<hbm>>
      tpu.wait_indirect_dma semaphore(%arg15 : memref<!tpu.dma_semaphore, #tpu.memory_space<semaphore_mem>>) src(%dma_wait3A_478 : memref<2000000x64xf32, #tpu.memory_space<hbm>>) dst(%dma_wait3A_472 : memref<100x64xf32, #tpu.memory_space<vmem>>)
      %dma_wait3A_479 = arith.constant 1 : i32
      %dma_wait3A_480 = arith.constant 1 : i32
      %dma_wait3A_481 = arith.constant 0 : i32
      %dma_wait3A_482 = arith.constant 0 : i32
      %dma_wait3A_483 = tpu.memref_slice %arg11[%dma_wait3A_480, %dma_wait3A_481, %dma_wait3A_482] : memref<2x100x64xf32, #tpu.memory_space<vmem>> -> memref<1x100x64xf32, #tpu.memory_space<vmem>>
      %dma_wait3A_484 = tpu.memref_squeeze %dma_wait3A_483 : memref<1x100x64xf32, #tpu.memory_space<vmem>> -> memref<100x64xf32, #tpu.memory_space<vmem>>
      %dma_wait3A_485 = arith.constant 0 : i32
      %dma_wait3A_486 = tpu.memref_slice %arg6[%add3A_466, %dma_wait3A_479, %dma_wait3A_485] : memref<128x2x100xi32, #tpu.memory_space<vmem>> -> memref<1x1x100xi32, #tpu.memory_space<vmem>>
      %dma_wait3A_487 = tpu.memref_squeeze %dma_wait3A_486 : memref<1x1x100xi32, #tpu.memory_space<vmem>> -> memref<100xi32, #tpu.memory_space<vmem>>
      %dma_wait3A_488 = arith.constant 0 : i32
      %dma_wait3A_489 = arith.constant 0 : i32
      %dma_wait3A_490 = tpu.memref_slice %arg3[%dma_wait3A_488, %dma_wait3A_489] : memref<2000000x64xf32, #tpu.memory_space<hbm>> -> memref<2000000x64xf32, #tpu.memory_space<hbm>>
      tpu.wait_indirect_dma semaphore(%arg15 : memref<!tpu.dma_semaphore, #tpu.memory_space<semaphore_mem>>) src(%dma_wait3A_490 : memref<2000000x64xf32, #tpu.memory_space<hbm>>) dst(%dma_wait3A_484 : memref<100x64xf32, #tpu.memory_space<vmem>>)
      %scan3A_491 = arith.constant 0 : i32
      %scan3A_492 = arith.constant 100 : i32
      %scan3A_493 = arith.addi %scan3A_491, %scan3A_492 : i32
      %scan3A_494 = arith.constant 1 : i32
      scf.for %scan3A_534 = %scan3A_491 to %scan3A_493 step %scan3A_494  : i32 {
        %get3A = arith.constant 0 : i32
        %get3A_535 = arith.index_cast %get3A : i32 to index
        %get3A_536 = arith.index_cast %scan3A_534 : i32 to index
        %get3A_537 = arith.constant 0 : index
        %get3A_538 = tpu.vector_load %arg7[%get3A_535, %get3A_536, %get3A_537] {strides = array<i32>} : memref<2x100x64xf32, #tpu.memory_space<vmem>>, vector<1x1x16xf32>,
        %get3A_539 = vector.shape_cast %get3A_538 : vector<1x1x16xf32> to vector<16xf32>
        %swap3A = arith.constant 0 : i32
        %swap3A_540 = arith.index_cast %swap3A : i32 to index
        %swap3A_541 = arith.index_cast %scan3A_534 : i32 to index
        %swap3A_542 = arith.constant 0 : index
        %swap3A_543 = tpu.vector_load %arg11[%swap3A_540, %swap3A_541, %swap3A_542] {strides = array<i32>} : memref<2x100x64xf32, #tpu.memory_space<vmem>>, vector<1x1x16xf32>,
        %swap3A_544 = vector.shape_cast %swap3A_543 : vector<1x1x16xf32> to vector<16xf32>
        %swap3A_545 = vector.shape_cast %get3A_539 : vector<16xf32> to vector<1x1x16xf32>
        tpu.vector_store %arg11[%swap3A_540, %swap3A_541, %swap3A_542], %swap3A_545 {add = true, strides = array<i32>} : memref<2x100x64xf32, #tpu.memory_space<vmem>>, vector<1x1x16xf32>,
        %get3A_546 = arith.constant 0 : i32
        %get3A_547 = arith.index_cast %get3A_546 : i32 to index
        %get3A_548 = arith.index_cast %scan3A_534 : i32 to index
        %get3A_549 = arith.constant 16 : index
        %get3A_550 = tpu.vector_load %arg7[%get3A_547, %get3A_548, %get3A_549] {strides = array<i32>} : memref<2x100x64xf32, #tpu.memory_space<vmem>>, vector<1x1x16xf32>,
        %get3A_551 = vector.shape_cast %get3A_550 : vector<1x1x16xf32> to vector<16xf32>
        %swap3A_552 = arith.constant 0 : i32
        %swap3A_553 = arith.index_cast %swap3A_552 : i32 to index
        %swap3A_554 = arith.index_cast %scan3A_534 : i32 to index
        %swap3A_555 = arith.constant 16 : index
        %swap3A_556 = tpu.vector_load %arg11[%swap3A_553, %swap3A_554, %swap3A_555] {strides = array<i32>} : memref<2x100x64xf32, #tpu.memory_space<vmem>>, vector<1x1x16xf32>,
        %swap3A_557 = vector.shape_cast %swap3A_556 : vector<1x1x16xf32> to vector<16xf32>
        %swap3A_558 = vector.shape_cast %get3A_551 : vector<16xf32> to vector<1x1x16xf32>
        tpu.vector_store %arg11[%swap3A_553, %swap3A_554, %swap3A_555], %swap3A_558 {add = true, strides = array<i32>} : memref<2x100x64xf32, #tpu.memory_space<vmem>>, vector<1x1x16xf32>,
        %get3A_559 = arith.constant 0 : i32
        %get3A_560 = arith.index_cast %get3A_559 : i32 to index
        %get3A_561 = arith.index_cast %scan3A_534 : i32 to index
        %get3A_562 = arith.constant 32 : index
        %get3A_563 = tpu.vector_load %arg7[%get3A_560, %get3A_561, %get3A_562] {strides = array<i32>} : memref<2x100x64xf32, #tpu.memory_space<vmem>>, vector<1x1x16xf32>,
        %get3A_564 = vector.shape_cast %get3A_563 : vector<1x1x16xf32> to vector<16xf32>
        %swap3A_565 = arith.constant 0 : i32
        %swap3A_566 = arith.index_cast %swap3A_565 : i32 to index
        %swap3A_567 = arith.index_cast %scan3A_534 : i32 to index
        %swap3A_568 = arith.constant 32 : index
        %swap3A_569 = tpu.vector_load %arg11[%swap3A_566, %swap3A_567, %swap3A_568] {strides = array<i32>} : memref<2x100x64xf32, #tpu.memory_space<vmem>>, vector<1x1x16xf32>,
        %swap3A_570 = vector.shape_cast %swap3A_569 : vector<1x1x16xf32> to vector<16xf32>
        %swap3A_571 = vector.shape_cast %get3A_564 : vector<16xf32> to vector<1x1x16xf32>
        tpu.vector_store %arg11[%swap3A_566, %swap3A_567, %swap3A_568], %swap3A_571 {add = true, strides = array<i32>} : memref<2x100x64xf32, #tpu.memory_space<vmem>>, vector<1x1x16xf32>,
        %get3A_572 = arith.constant 0 : i32
        %get3A_573 = arith.index_cast %get3A_572 : i32 to index
        %get3A_574 = arith.index_cast %scan3A_534 : i32 to index
        %get3A_575 = arith.constant 48 : index
        %get3A_576 = tpu.vector_load %arg7[%get3A_573, %get3A_574, %get3A_575] {strides = array<i32>} : memref<2x100x64xf32, #tpu.memory_space<vmem>>, vector<1x1x16xf32>,
        %get3A_577 = vector.shape_cast %get3A_576 : vector<1x1x16xf32> to vector<16xf32>
        %swap3A_578 = arith.constant 0 : i32
        %swap3A_579 = arith.index_cast %swap3A_578 : i32 to index
        %swap3A_580 = arith.index_cast %scan3A_534 : i32 to index
        %swap3A_581 = arith.constant 48 : index
        %swap3A_582 = tpu.vector_load %arg11[%swap3A_579, %swap3A_580, %swap3A_581] {strides = array<i32>} : memref<2x100x64xf32, #tpu.memory_space<vmem>>, vector<1x1x16xf32>,
        %swap3A_583 = vector.shape_cast %swap3A_582 : vector<1x1x16xf32> to vector<16xf32>
        %swap3A_584 = vector.shape_cast %get3A_577 : vector<16xf32> to vector<1x1x16xf32>
        tpu.vector_store %arg11[%swap3A_579, %swap3A_580, %swap3A_581], %swap3A_584 {add = true, strides = array<i32>} : memref<2x100x64xf32, #tpu.memory_space<vmem>>, vector<1x1x16xf32>,
        %get3A_585 = arith.constant 1 : i32
        %get3A_586 = arith.index_cast %get3A_585 : i32 to index
        %get3A_587 = arith.index_cast %scan3A_534 : i32 to index
        %get3A_588 = arith.constant 0 : index
        %get3A_589 = tpu.vector_load %arg7[%get3A_586, %get3A_587, %get3A_588] {strides = array<i32>} : memref<2x100x64xf32, #tpu.memory_space<vmem>>, vector<1x1x16xf32>,
        %get3A_590 = vector.shape_cast %get3A_589 : vector<1x1x16xf32> to vector<16xf32>
        %swap3A_591 = arith.constant 1 : i32
        %swap3A_592 = arith.index_cast %swap3A_591 : i32 to index
        %swap3A_593 = arith.index_cast %scan3A_534 : i32 to index
        %swap3A_594 = arith.constant 0 : index
        %swap3A_595 = tpu.vector_load %arg11[%swap3A_592, %swap3A_593, %swap3A_594] {strides = array<i32>} : memref<2x100x64xf32, #tpu.memory_space<vmem>>, vector<1x1x16xf32>,
        %swap3A_596 = vector.shape_cast %swap3A_595 : vector<1x1x16xf32> to vector<16xf32>
        %swap3A_597 = vector.shape_cast %get3A_590 : vector<16xf32> to vector<1x1x16xf32>
        tpu.vector_store %arg11[%swap3A_592, %swap3A_593, %swap3A_594], %swap3A_597 {add = true, strides = array<i32>} : memref<2x100x64xf32, #tpu.memory_space<vmem>>, vector<1x1x16xf32>,
        %get3A_598 = arith.constant 1 : i32
        %get3A_599 = arith.index_cast %get3A_598 : i32 to index
        %get3A_600 = arith.index_cast %scan3A_534 : i32 to index
        %get3A_601 = arith.constant 16 : index
        %get3A_602 = tpu.vector_load %arg7[%get3A_599, %get3A_600, %get3A_601] {strides = array<i32>} : memref<2x100x64xf32, #tpu.memory_space<vmem>>, vector<1x1x16xf32>,
        %get3A_603 = vector.shape_cast %get3A_602 : vector<1x1x16xf32> to vector<16xf32>
        %swap3A_604 = arith.constant 1 : i32
        %swap3A_605 = arith.index_cast %swap3A_604 : i32 to index
        %swap3A_606 = arith.index_cast %scan3A_534 : i32 to index
        %swap3A_607 = arith.constant 16 : index
        %swap3A_608 = tpu.vector_load %arg11[%swap3A_605, %swap3A_606, %swap3A_607] {strides = array<i32>} : memref<2x100x64xf32, #tpu.memory_space<vmem>>, vector<1x1x16xf32>,
        %swap3A_609 = vector.shape_cast %swap3A_608 : vector<1x1x16xf32> to vector<16xf32>
        %swap3A_610 = vector.shape_cast %get3A_603 : vector<16xf32> to vector<1x1x16xf32>
        tpu.vector_store %arg11[%swap3A_605, %swap3A_606, %swap3A_607], %swap3A_610 {add = true, strides = array<i32>} : memref<2x100x64xf32, #tpu.memory_space<vmem>>, vector<1x1x16xf32>,
        %get3A_611 = arith.constant 1 : i32
        %get3A_612 = arith.index_cast %get3A_611 : i32 to index
        %get3A_613 = arith.index_cast %scan3A_534 : i32 to index
        %get3A_614 = arith.constant 32 : index
        %get3A_615 = tpu.vector_load %arg7[%get3A_612, %get3A_613, %get3A_614] {strides = array<i32>} : memref<2x100x64xf32, #tpu.memory_space<vmem>>, vector<1x1x16xf32>,
        %get3A_616 = vector.shape_cast %get3A_615 : vector<1x1x16xf32> to vector<16xf32>
        %swap3A_617 = arith.constant 1 : i32
        %swap3A_618 = arith.index_cast %swap3A_617 : i32 to index
        %swap3A_619 = arith.index_cast %scan3A_534 : i32 to index
        %swap3A_620 = arith.constant 32 : index
        %swap3A_621 = tpu.vector_load %arg11[%swap3A_618, %swap3A_619, %swap3A_620] {strides = array<i32>} : memref<2x100x64xf32, #tpu.memory_space<vmem>>, vector<1x1x16xf32>,
        %swap3A_622 = vector.shape_cast %swap3A_621 : vector<1x1x16xf32> to vector<16xf32>
        %swap3A_623 = vector.shape_cast %get3A_616 : vector<16xf32> to vector<1x1x16xf32>
        tpu.vector_store %arg11[%swap3A_618, %swap3A_619, %swap3A_620], %swap3A_623 {add = true, strides = array<i32>} : memref<2x100x64xf32, #tpu.memory_space<vmem>>, vector<1x1x16xf32>,
        %get3A_624 = arith.constant 1 : i32
        %get3A_625 = arith.index_cast %get3A_624 : i32 to index
        %get3A_626 = arith.index_cast %scan3A_534 : i32 to index
        %get3A_627 = arith.constant 48 : index
        %get3A_628 = tpu.vector_load %arg7[%get3A_625, %get3A_626, %get3A_627] {strides = array<i32>} : memref<2x100x64xf32, #tpu.memory_space<vmem>>, vector<1x1x16xf32>,
        %get3A_629 = vector.shape_cast %get3A_628 : vector<1x1x16xf32> to vector<16xf32>
        %swap3A_630 = arith.constant 1 : i32
        %swap3A_631 = arith.index_cast %swap3A_630 : i32 to index
        %swap3A_632 = arith.index_cast %scan3A_534 : i32 to index
        %swap3A_633 = arith.constant 48 : index
        %swap3A_634 = tpu.vector_load %arg11[%swap3A_631, %swap3A_632, %swap3A_633] {strides = array<i32>} : memref<2x100x64xf32, #tpu.memory_space<vmem>>, vector<1x1x16xf32>,
        %swap3A_635 = vector.shape_cast %swap3A_634 : vector<1x1x16xf32> to vector<16xf32>
        %swap3A_636 = vector.shape_cast %get3A_629 : vector<16xf32> to vector<1x1x16xf32>
        tpu.vector_store %arg11[%swap3A_631, %swap3A_632, %swap3A_633], %swap3A_636 {add = true, strides = array<i32>} : memref<2x100x64xf32, #tpu.memory_space<vmem>>, vector<1x1x16xf32>,
      }
      %scan3A_495 = arith.constant 100 : i32
      %add3A_496 = arith.addi %mul3A_2, %add3A_466 : i32
      %dma_start3A_497 = arith.constant 0 : i32
      %dma_start3A_498 = arith.constant 0 : i32
      %dma_start3A_499 = arith.constant 0 : i32
      %dma_start3A_500 = tpu.memref_slice %arg11[%dma_start3A_497, %dma_start3A_498, %dma_start3A_499] : memref<2x100x64xf32, #tpu.memory_space<vmem>> -> memref<1x100x64xf32, #tpu.memory_space<vmem>>
      %dma_start3A_501 = tpu.memref_squeeze %dma_start3A_500 : memref<1x100x64xf32, #tpu.memory_space<vmem>> -> memref<100x64xf32, #tpu.memory_space<vmem>>
      %dma_start3A_502 = arith.constant 0 : i32
      %dma_start3A_503 = arith.constant 0 : i32
      %dma_start3A_504 = tpu.memref_slice %arg5[%add3A_496, %dma_start3A_502, %dma_start3A_503] : memref<4096x100x128xf32, #tpu.memory_space<hbm>> -> memref<1x100x64xf32, #tpu.memory_space<hbm>>
      %dma_start3A_505 = tpu.memref_squeeze %dma_start3A_504 : memref<1x100x64xf32, #tpu.memory_space<hbm>> -> memref<100x64xf32, #tpu.memory_space<hbm>>
      %dma_start3A_506 = arith.constant 0 : i32
      %dma_start3A_507 = arith.constant 0 : i32
      %dma_start3A_508 = tpu.memref_slice %arg5[%add3A_496, %dma_start3A_506, %dma_start3A_507] : memref<4096x100x128xf32, #tpu.memory_space<hbm>> -> memref<1x100x64xf32, #tpu.memory_space<hbm>>
      %dma_start3A_509 = tpu.memref_squeeze %dma_start3A_508 : memref<1x100x64xf32, #tpu.memory_space<hbm>> -> memref<100x64xf32, #tpu.memory_space<hbm>>
      %dma_start3A_510 = arith.constant 0 : i32
      %dma_start3A_511 = arith.constant 0 : i32
      %dma_start3A_512 = tpu.memref_slice %arg11[%dma_start3A_497, %dma_start3A_510, %dma_start3A_511] : memref<2x100x64xf32, #tpu.memory_space<vmem>> -> memref<1x100x64xf32, #tpu.memory_space<vmem>>
      %dma_start3A_513 = tpu.memref_squeeze %dma_start3A_512 : memref<1x100x64xf32, #tpu.memory_space<vmem>> -> memref<100x64xf32, #tpu.memory_space<vmem>>
      tpu.enqueue_dma source(%dma_start3A_513 : memref<100x64xf32, #tpu.memory_space<vmem>>) target(%dma_start3A_509 : memref<100x64xf32, #tpu.memory_space<hbm>>) target_semaphore(%arg19 : memref<!tpu.dma_semaphore, #tpu.memory_space<semaphore_mem>>)
      %add3A_514 = arith.addi %mul3A_2, %add3A_466 : i32
      %dma_start3A_515 = arith.constant 1 : i32
      %dma_start3A_516 = arith.constant 0 : i32
      %dma_start3A_517 = arith.constant 0 : i32
      %dma_start3A_518 = tpu.memref_slice %arg11[%dma_start3A_515, %dma_start3A_516, %dma_start3A_517] : memref<2x100x64xf32, #tpu.memory_space<vmem>> -> memref<1x100x64xf32, #tpu.memory_space<vmem>>
      %dma_start3A_519 = tpu.memref_squeeze %dma_start3A_518 : memref<1x100x64xf32, #tpu.memory_space<vmem>> -> memref<100x64xf32, #tpu.memory_space<vmem>>
      %dma_start3A_520 = arith.constant 0 : i32
      %dma_start3A_521 = arith.constant 64 : i32
      %dma_start3A_522 = tpu.memref_slice %arg5[%add3A_514, %dma_start3A_520, %dma_start3A_521] : memref<4096x100x128xf32, #tpu.memory_space<hbm>> -> memref<1x100x64xf32, #tpu.memory_space<hbm>>
      %dma_start3A_523 = tpu.memref_squeeze %dma_start3A_522 : memref<1x100x64xf32, #tpu.memory_space<hbm>> -> memref<100x64xf32, #tpu.memory_space<hbm>>
      %dma_start3A_524 = arith.constant 0 : i32
      %dma_start3A_525 = arith.constant 64 : i32
      %dma_start3A_526 = tpu.memref_slice %arg5[%add3A_514, %dma_start3A_524, %dma_start3A_525] : memref<4096x100x128xf32, #tpu.memory_space<hbm>> -> memref<1x100x64xf32, #tpu.memory_space<hbm>>
      %dma_start3A_527 = tpu.memref_squeeze %dma_start3A_526 : memref<1x100x64xf32, #tpu.memory_space<hbm>> -> memref<100x64xf32, #tpu.memory_space<hbm>>
      %dma_start3A_528 = arith.constant 0 : i32
      %dma_start3A_529 = arith.constant 0 : i32
      %dma_start3A_530 = tpu.memref_slice %arg11[%dma_start3A_515, %dma_start3A_528, %dma_start3A_529] : memref<2x100x64xf32, #tpu.memory_space<vmem>> -> memref<1x100x64xf32, #tpu.memory_space<vmem>>
      %dma_start3A_531 = tpu.memref_squeeze %dma_start3A_530 : memref<1x100x64xf32, #tpu.memory_space<vmem>> -> memref<100x64xf32, #tpu.memory_space<vmem>>
      tpu.enqueue_dma source(%dma_start3A_531 : memref<100x64xf32, #tpu.memory_space<vmem>>) target(%dma_start3A_527 : memref<100x64xf32, #tpu.memory_space<hbm>>) target_semaphore(%arg19 : memref<!tpu.dma_semaphore, #tpu.memory_space<semaphore_mem>>)
      %lt3A = arith.constant 31 : i32
      %lt3A_532 = arith.cmpi slt, %scan3A_261, %lt3A : i32
      %convert_element_type3A = arith.extui %lt3A_532 : i1 to i32
      %cond3A = arith.constant 0 : i32
      %cond3A_533 = arith.cmpi ne, %convert_element_type3A, %cond3A : i32
      scf.if %cond3A_533 {
        %add3A_534 = arith.constant 0 : i32
        %add3A_535 = arith.addi %mul3A_263, %add3A_534 : i32
        %add3A_536 = arith.addi %mul3A_2, %add3A_535 : i32
        %dma_wait3A_537 = arith.constant 0 : i32
        %dma_wait3A_538 = arith.constant 0 : i32
        %dma_wait3A_539 = arith.constant 0 : i32
        %dma_wait3A_540 = tpu.memref_slice %arg8[%dma_wait3A_537, %dma_wait3A_538, %dma_wait3A_539] : memref<2x100x64xf32, #tpu.memory_space<vmem>> -> memref<1x100x64xf32, #tpu.memory_space<vmem>>
        %dma_wait3A_541 = tpu.memref_squeeze %dma_wait3A_540 : memref<1x100x64xf32, #tpu.memory_space<vmem>> -> memref<100x64xf32, #tpu.memory_space<vmem>>
        %dma_wait3A_542 = arith.constant 0 : i32
        %dma_wait3A_543 = arith.constant 0 : i32
        %dma_wait3A_544 = tpu.memref_slice %arg5[%add3A_536, %dma_wait3A_542, %dma_wait3A_543] : memref<4096x100x128xf32, #tpu.memory_space<hbm>> -> memref<1x100x64xf32, #tpu.memory_space<hbm>>
        %dma_wait3A_545 = tpu.memref_squeeze %dma_wait3A_544 : memref<1x100x64xf32, #tpu.memory_space<hbm>> -> memref<100x64xf32, #tpu.memory_space<hbm>>
        %dma_wait3A_546 = arith.constant 0 : i32
        %dma_wait3A_547 = arith.constant 0 : i32
        %dma_wait3A_548 = tpu.memref_slice %arg5[%add3A_536, %dma_wait3A_546, %dma_wait3A_547] : memref<4096x100x128xf32, #tpu.memory_space<hbm>> -> memref<1x100x64xf32, #tpu.memory_space<hbm>>
        %dma_wait3A_549 = tpu.memref_squeeze %dma_wait3A_548 : memref<1x100x64xf32, #tpu.memory_space<hbm>> -> memref<100x64xf32, #tpu.memory_space<hbm>>
        %dma_wait3A_550 = arith.constant 0 : i32
        %dma_wait3A_551 = arith.constant 0 : i32
        %dma_wait3A_552 = tpu.memref_slice %arg8[%dma_wait3A_537, %dma_wait3A_550, %dma_wait3A_551] : memref<2x100x64xf32, #tpu.memory_space<vmem>> -> memref<1x100x64xf32, #tpu.memory_space<vmem>>
        %dma_wait3A_553 = tpu.memref_squeeze %dma_wait3A_552 : memref<1x100x64xf32, #tpu.memory_space<vmem>> -> memref<100x64xf32, #tpu.memory_space<vmem>>
        tpu.wait_dma2 semaphore(%arg16 : memref<!tpu.dma_semaphore, #tpu.memory_space<semaphore_mem>>) src(%dma_wait3A_553 : memref<100x64xf32, #tpu.memory_space<vmem>>) dst(%dma_wait3A_549 : memref<100x64xf32, #tpu.memory_space<hbm>>)
        %add3A_554 = arith.addi %mul3A_2, %add3A_535 : i32
        %dma_wait3A_555 = arith.constant 1 : i32
        %dma_wait3A_556 = arith.constant 0 : i32
        %dma_wait3A_557 = arith.constant 0 : i32
        %dma_wait3A_558 = tpu.memref_slice %arg8[%dma_wait3A_555, %dma_wait3A_556, %dma_wait3A_557] : memref<2x100x64xf32, #tpu.memory_space<vmem>> -> memref<1x100x64xf32, #tpu.memory_space<vmem>>
        %dma_wait3A_559 = tpu.memref_squeeze %dma_wait3A_558 : memref<1x100x64xf32, #tpu.memory_space<vmem>> -> memref<100x64xf32, #tpu.memory_space<vmem>>
        %dma_wait3A_560 = arith.constant 0 : i32
        %dma_wait3A_561 = arith.constant 64 : i32
        %dma_wait3A_562 = tpu.memref_slice %arg5[%add3A_554, %dma_wait3A_560, %dma_wait3A_561] : memref<4096x100x128xf32, #tpu.memory_space<hbm>> -> memref<1x100x64xf32, #tpu.memory_space<hbm>>
        %dma_wait3A_563 = tpu.memref_squeeze %dma_wait3A_562 : memref<1x100x64xf32, #tpu.memory_space<hbm>> -> memref<100x64xf32, #tpu.memory_space<hbm>>
        %dma_wait3A_564 = arith.constant 0 : i32
        %dma_wait3A_565 = arith.constant 64 : i32
        %dma_wait3A_566 = tpu.memref_slice %arg5[%add3A_554, %dma_wait3A_564, %dma_wait3A_565] : memref<4096x100x128xf32, #tpu.memory_space<hbm>> -> memref<1x100x64xf32, #tpu.memory_space<hbm>>
        %dma_wait3A_567 = tpu.memref_squeeze %dma_wait3A_566 : memref<1x100x64xf32, #tpu.memory_space<hbm>> -> memref<100x64xf32, #tpu.memory_space<hbm>>
        %dma_wait3A_568 = arith.constant 0 : i32
        %dma_wait3A_569 = arith.constant 0 : i32
        %dma_wait3A_570 = tpu.memref_slice %arg8[%dma_wait3A_555, %dma_wait3A_568, %dma_wait3A_569] : memref<2x100x64xf32, #tpu.memory_space<vmem>> -> memref<1x100x64xf32, #tpu.memory_space<vmem>>
        %dma_wait3A_571 = tpu.memref_squeeze %dma_wait3A_570 : memref<1x100x64xf32, #tpu.memory_space<vmem>> -> memref<100x64xf32, #tpu.memory_space<vmem>>
        tpu.wait_dma2 semaphore(%arg16 : memref<!tpu.dma_semaphore, #tpu.memory_space<semaphore_mem>>) src(%dma_wait3A_571 : memref<100x64xf32, #tpu.memory_space<vmem>>) dst(%dma_wait3A_567 : memref<100x64xf32, #tpu.memory_space<hbm>>)
        %add3A_572 = arith.constant 4 : i32
        %add3A_573 = arith.addi %add3A_535, %add3A_572 : i32
        %dma_start3A_574 = arith.constant 0 : i32
        %dma_start3A_575 = arith.constant 0 : i32
        %dma_start3A_576 = arith.constant 0 : i32
        %dma_start3A_577 = arith.constant 0 : i32
        %dma_start3A_578 = tpu.memref_slice %arg8[%dma_start3A_575, %dma_start3A_576, %dma_start3A_577] : memref<2x100x64xf32, #tpu.memory_space<vmem>> -> memref<1x100x64xf32, #tpu.memory_space<vmem>>
        %dma_start3A_579 = tpu.memref_squeeze %dma_start3A_578 : memref<1x100x64xf32, #tpu.memory_space<vmem>> -> memref<100x64xf32, #tpu.memory_space<vmem>>
        %dma_start3A_580 = arith.constant 0 : i32
        %dma_start3A_581 = tpu.memref_slice %arg6[%add3A_573, %dma_start3A_574, %dma_start3A_580] : memref<128x2x100xi32, #tpu.memory_space<vmem>> -> memref<1x1x100xi32, #tpu.memory_space<vmem>>
        %dma_start3A_582 = tpu.memref_squeeze %dma_start3A_581 : memref<1x1x100xi32, #tpu.memory_space<vmem>> -> memref<100xi32, #tpu.memory_space<vmem>>
        %dma_start3A_583 = arith.constant 0 : i32
        %dma_start3A_584 = arith.constant 0 : i32
        %dma_start3A_585 = tpu.memref_slice %arg3[%dma_start3A_583, %dma_start3A_584] : memref<2000000x64xf32, #tpu.memory_space<hbm>> -> memref<2000000x64xf32, #tpu.memory_space<hbm>>
        tpu.enqueue_indirect_dma source(%dma_start3A_585 : memref<2000000x64xf32, #tpu.memory_space<hbm>>) target(%dma_start3A_579 : memref<100x64xf32, #tpu.memory_space<vmem>>) offsets(%dma_start3A_582 : memref<100xi32, #tpu.memory_space<vmem>>) semaphore(%arg12 : memref<!tpu.dma_semaphore, #tpu.memory_space<semaphore_mem>>)
        %dma_start3A_586 = arith.constant 1 : i32
        %dma_start3A_587 = arith.constant 1 : i32
        %dma_start3A_588 = arith.constant 0 : i32
        %dma_start3A_589 = arith.constant 0 : i32
        %dma_start3A_590 = tpu.memref_slice %arg8[%dma_start3A_587, %dma_start3A_588, %dma_start3A_589] : memref<2x100x64xf32, #tpu.memory_space<vmem>> -> memref<1x100x64xf32, #tpu.memory_space<vmem>>
        %dma_start3A_591 = tpu.memref_squeeze %dma_start3A_590 : memref<1x100x64xf32, #tpu.memory_space<vmem>> -> memref<100x64xf32, #tpu.memory_space<vmem>>
        %dma_start3A_592 = arith.constant 0 : i32
        %dma_start3A_593 = tpu.memref_slice %arg6[%add3A_573, %dma_start3A_586, %dma_start3A_592] : memref<128x2x100xi32, #tpu.memory_space<vmem>> -> memref<1x1x100xi32, #tpu.memory_space<vmem>>
        %dma_start3A_594 = tpu.memref_squeeze %dma_start3A_593 : memref<1x1x100xi32, #tpu.memory_space<vmem>> -> memref<100xi32, #tpu.memory_space<vmem>>
        %dma_start3A_595 = arith.constant 0 : i32
        %dma_start3A_596 = arith.constant 0 : i32
        %dma_start3A_597 = tpu.memref_slice %arg3[%dma_start3A_595, %dma_start3A_596] : memref<2000000x64xf32, #tpu.memory_space<hbm>> -> memref<2000000x64xf32, #tpu.memory_space<hbm>>
        tpu.enqueue_indirect_dma source(%dma_start3A_597 : memref<2000000x64xf32, #tpu.memory_space<hbm>>) target(%dma_start3A_591 : memref<100x64xf32, #tpu.memory_space<vmem>>) offsets(%dma_start3A_594 : memref<100xi32, #tpu.memory_space<vmem>>) semaphore(%arg12 : memref<!tpu.dma_semaphore, #tpu.memory_space<semaphore_mem>>)
        %add3A_598 = arith.constant 1 : i32
        %add3A_599 = arith.addi %mul3A_263, %add3A_598 : i32
        %add3A_600 = arith.addi %mul3A_2, %add3A_599 : i32
        %dma_wait3A_601 = arith.constant 0 : i32
        %dma_wait3A_602 = arith.constant 0 : i32
        %dma_wait3A_603 = arith.constant 0 : i32
        %dma_wait3A_604 = tpu.memref_slice %arg9[%dma_wait3A_601, %dma_wait3A_602, %dma_wait3A_603] : memref<2x100x64xf32, #tpu.memory_space<vmem>> -> memref<1x100x64xf32, #tpu.memory_space<vmem>>
        %dma_wait3A_605 = tpu.memref_squeeze %dma_wait3A_604 : memref<1x100x64xf32, #tpu.memory_space<vmem>> -> memref<100x64xf32, #tpu.memory_space<vmem>>
        %dma_wait3A_606 = arith.constant 0 : i32
        %dma_wait3A_607 = arith.constant 0 : i32
        %dma_wait3A_608 = tpu.memref_slice %arg5[%add3A_600, %dma_wait3A_606, %dma_wait3A_607] : memref<4096x100x128xf32, #tpu.memory_space<hbm>> -> memref<1x100x64xf32, #tpu.memory_space<hbm>>
        %dma_wait3A_609 = tpu.memref_squeeze %dma_wait3A_608 : memref<1x100x64xf32, #tpu.memory_space<hbm>> -> memref<100x64xf32, #tpu.memory_space<hbm>>
        %dma_wait3A_610 = arith.constant 0 : i32
        %dma_wait3A_611 = arith.constant 0 : i32
        %dma_wait3A_612 = tpu.memref_slice %arg5[%add3A_600, %dma_wait3A_610, %dma_wait3A_611] : memref<4096x100x128xf32, #tpu.memory_space<hbm>> -> memref<1x100x64xf32, #tpu.memory_space<hbm>>
        %dma_wait3A_613 = tpu.memref_squeeze %dma_wait3A_612 : memref<1x100x64xf32, #tpu.memory_space<hbm>> -> memref<100x64xf32, #tpu.memory_space<hbm>>
        %dma_wait3A_614 = arith.constant 0 : i32
        %dma_wait3A_615 = arith.constant 0 : i32
        %dma_wait3A_616 = tpu.memref_slice %arg9[%dma_wait3A_601, %dma_wait3A_614, %dma_wait3A_615] : memref<2x100x64xf32, #tpu.memory_space<vmem>> -> memref<1x100x64xf32, #tpu.memory_space<vmem>>
        %dma_wait3A_617 = tpu.memref_squeeze %dma_wait3A_616 : memref<1x100x64xf32, #tpu.memory_space<vmem>> -> memref<100x64xf32, #tpu.memory_space<vmem>>
        tpu.wait_dma2 semaphore(%arg17 : memref<!tpu.dma_semaphore, #tpu.memory_space<semaphore_mem>>) src(%dma_wait3A_617 : memref<100x64xf32, #tpu.memory_space<vmem>>) dst(%dma_wait3A_613 : memref<100x64xf32, #tpu.memory_space<hbm>>)
        %add3A_618 = arith.addi %mul3A_2, %add3A_599 : i32
        %dma_wait3A_619 = arith.constant 1 : i32
        %dma_wait3A_620 = arith.constant 0 : i32
        %dma_wait3A_621 = arith.constant 0 : i32
        %dma_wait3A_622 = tpu.memref_slice %arg9[%dma_wait3A_619, %dma_wait3A_620, %dma_wait3A_621] : memref<2x100x64xf32, #tpu.memory_space<vmem>> -> memref<1x100x64xf32, #tpu.memory_space<vmem>>
        %dma_wait3A_623 = tpu.memref_squeeze %dma_wait3A_622 : memref<1x100x64xf32, #tpu.memory_space<vmem>> -> memref<100x64xf32, #tpu.memory_space<vmem>>
        %dma_wait3A_624 = arith.constant 0 : i32
        %dma_wait3A_625 = arith.constant 64 : i32
        %dma_wait3A_626 = tpu.memref_slice %arg5[%add3A_618, %dma_wait3A_624, %dma_wait3A_625] : memref<4096x100x128xf32, #tpu.memory_space<hbm>> -> memref<1x100x64xf32, #tpu.memory_space<hbm>>
        %dma_wait3A_627 = tpu.memref_squeeze %dma_wait3A_626 : memref<1x100x64xf32, #tpu.memory_space<hbm>> -> memref<100x64xf32, #tpu.memory_space<hbm>>
        %dma_wait3A_628 = arith.constant 0 : i32
        %dma_wait3A_629 = arith.constant 64 : i32
        %dma_wait3A_630 = tpu.memref_slice %arg5[%add3A_618, %dma_wait3A_628, %dma_wait3A_629] : memref<4096x100x128xf32, #tpu.memory_space<hbm>> -> memref<1x100x64xf32, #tpu.memory_space<hbm>>
        %dma_wait3A_631 = tpu.memref_squeeze %dma_wait3A_630 : memref<1x100x64xf32, #tpu.memory_space<hbm>> -> memref<100x64xf32, #tpu.memory_space<hbm>>
        %dma_wait3A_632 = arith.constant 0 : i32
        %dma_wait3A_633 = arith.constant 0 : i32
        %dma_wait3A_634 = tpu.memref_slice %arg9[%dma_wait3A_619, %dma_wait3A_632, %dma_wait3A_633] : memref<2x100x64xf32, #tpu.memory_space<vmem>> -> memref<1x100x64xf32, #tpu.memory_space<vmem>>
        %dma_wait3A_635 = tpu.memref_squeeze %dma_wait3A_634 : memref<1x100x64xf32, #tpu.memory_space<vmem>> -> memref<100x64xf32, #tpu.memory_space<vmem>>
        tpu.wait_dma2 semaphore(%arg17 : memref<!tpu.dma_semaphore, #tpu.memory_space<semaphore_mem>>) src(%dma_wait3A_635 : memref<100x64xf32, #tpu.memory_space<vmem>>) dst(%dma_wait3A_631 : memref<100x64xf32, #tpu.memory_space<hbm>>)
        %add3A_636 = arith.constant 4 : i32
        %add3A_637 = arith.addi %add3A_599, %add3A_636 : i32
        %dma_start3A_638 = arith.constant 0 : i32
        %dma_start3A_639 = arith.constant 0 : i32
        %dma_start3A_640 = arith.constant 0 : i32
        %dma_start3A_641 = arith.constant 0 : i32
        %dma_start3A_642 = tpu.memref_slice %arg9[%dma_start3A_639, %dma_start3A_640, %dma_start3A_641] : memref<2x100x64xf32, #tpu.memory_space<vmem>> -> memref<1x100x64xf32, #tpu.memory_space<vmem>>
        %dma_start3A_643 = tpu.memref_squeeze %dma_start3A_642 : memref<1x100x64xf32, #tpu.memory_space<vmem>> -> memref<100x64xf32, #tpu.memory_space<vmem>>
        %dma_start3A_644 = arith.constant 0 : i32
        %dma_start3A_645 = tpu.memref_slice %arg6[%add3A_637, %dma_start3A_638, %dma_start3A_644] : memref<128x2x100xi32, #tpu.memory_space<vmem>> -> memref<1x1x100xi32, #tpu.memory_space<vmem>>
        %dma_start3A_646 = tpu.memref_squeeze %dma_start3A_645 : memref<1x1x100xi32, #tpu.memory_space<vmem>> -> memref<100xi32, #tpu.memory_space<vmem>>
        %dma_start3A_647 = arith.constant 0 : i32
        %dma_start3A_648 = arith.constant 0 : i32
        %dma_start3A_649 = tpu.memref_slice %arg3[%dma_start3A_647, %dma_start3A_648] : memref<2000000x64xf32, #tpu.memory_space<hbm>> -> memref<2000000x64xf32, #tpu.memory_space<hbm>>
        tpu.enqueue_indirect_dma source(%dma_start3A_649 : memref<2000000x64xf32, #tpu.memory_space<hbm>>) target(%dma_start3A_643 : memref<100x64xf32, #tpu.memory_space<vmem>>) offsets(%dma_start3A_646 : memref<100xi32, #tpu.memory_space<vmem>>) semaphore(%arg13 : memref<!tpu.dma_semaphore, #tpu.memory_space<semaphore_mem>>)
        %dma_start3A_650 = arith.constant 1 : i32
        %dma_start3A_651 = arith.constant 1 : i32
        %dma_start3A_652 = arith.constant 0 : i32
        %dma_start3A_653 = arith.constant 0 : i32
        %dma_start3A_654 = tpu.memref_slice %arg9[%dma_start3A_651, %dma_start3A_652, %dma_start3A_653] : memref<2x100x64xf32, #tpu.memory_space<vmem>> -> memref<1x100x64xf32, #tpu.memory_space<vmem>>
        %dma_start3A_655 = tpu.memref_squeeze %dma_start3A_654 : memref<1x100x64xf32, #tpu.memory_space<vmem>> -> memref<100x64xf32, #tpu.memory_space<vmem>>
        %dma_start3A_656 = arith.constant 0 : i32
        %dma_start3A_657 = tpu.memref_slice %arg6[%add3A_637, %dma_start3A_650, %dma_start3A_656] : memref<128x2x100xi32, #tpu.memory_space<vmem>> -> memref<1x1x100xi32, #tpu.memory_space<vmem>>
        %dma_start3A_658 = tpu.memref_squeeze %dma_start3A_657 : memref<1x1x100xi32, #tpu.memory_space<vmem>> -> memref<100xi32, #tpu.memory_space<vmem>>
        %dma_start3A_659 = arith.constant 0 : i32
        %dma_start3A_660 = arith.constant 0 : i32
        %dma_start3A_661 = tpu.memref_slice %arg3[%dma_start3A_659, %dma_start3A_660] : memref<2000000x64xf32, #tpu.memory_space<hbm>> -> memref<2000000x64xf32, #tpu.memory_space<hbm>>
        tpu.enqueue_indirect_dma source(%dma_start3A_661 : memref<2000000x64xf32, #tpu.memory_space<hbm>>) target(%dma_start3A_655 : memref<100x64xf32, #tpu.memory_space<vmem>>) offsets(%dma_start3A_658 : memref<100xi32, #tpu.memory_space<vmem>>) semaphore(%arg13 : memref<!tpu.dma_semaphore, #tpu.memory_space<semaphore_mem>>)
        %add3A_662 = arith.constant 2 : i32
        %add3A_663 = arith.addi %mul3A_263, %add3A_662 : i32
        %add3A_664 = arith.addi %mul3A_2, %add3A_663 : i32
        %dma_wait3A_665 = arith.constant 0 : i32
        %dma_wait3A_666 = arith.constant 0 : i32
        %dma_wait3A_667 = arith.constant 0 : i32
        %dma_wait3A_668 = tpu.memref_slice %arg10[%dma_wait3A_665, %dma_wait3A_666, %dma_wait3A_667] : memref<2x100x64xf32, #tpu.memory_space<vmem>> -> memref<1x100x64xf32, #tpu.memory_space<vmem>>
        %dma_wait3A_669 = tpu.memref_squeeze %dma_wait3A_668 : memref<1x100x64xf32, #tpu.memory_space<vmem>> -> memref<100x64xf32, #tpu.memory_space<vmem>>
        %dma_wait3A_670 = arith.constant 0 : i32
        %dma_wait3A_671 = arith.constant 0 : i32
        %dma_wait3A_672 = tpu.memref_slice %arg5[%add3A_664, %dma_wait3A_670, %dma_wait3A_671] : memref<4096x100x128xf32, #tpu.memory_space<hbm>> -> memref<1x100x64xf32, #tpu.memory_space<hbm>>
        %dma_wait3A_673 = tpu.memref_squeeze %dma_wait3A_672 : memref<1x100x64xf32, #tpu.memory_space<hbm>> -> memref<100x64xf32, #tpu.memory_space<hbm>>
        %dma_wait3A_674 = arith.constant 0 : i32
        %dma_wait3A_675 = arith.constant 0 : i32
        %dma_wait3A_676 = tpu.memref_slice %arg5[%add3A_664, %dma_wait3A_674, %dma_wait3A_675] : memref<4096x100x128xf32, #tpu.memory_space<hbm>> -> memref<1x100x64xf32, #tpu.memory_space<hbm>>
        %dma_wait3A_677 = tpu.memref_squeeze %dma_wait3A_676 : memref<1x100x64xf32, #tpu.memory_space<hbm>> -> memref<100x64xf32, #tpu.memory_space<hbm>>
        %dma_wait3A_678 = arith.constant 0 : i32
        %dma_wait3A_679 = arith.constant 0 : i32
        %dma_wait3A_680 = tpu.memref_slice %arg10[%dma_wait3A_665, %dma_wait3A_678, %dma_wait3A_679] : memref<2x100x64xf32, #tpu.memory_space<vmem>> -> memref<1x100x64xf32, #tpu.memory_space<vmem>>
        %dma_wait3A_681 = tpu.memref_squeeze %dma_wait3A_680 : memref<1x100x64xf32, #tpu.memory_space<vmem>> -> memref<100x64xf32, #tpu.memory_space<vmem>>
        tpu.wait_dma2 semaphore(%arg18 : memref<!tpu.dma_semaphore, #tpu.memory_space<semaphore_mem>>) src(%dma_wait3A_681 : memref<100x64xf32, #tpu.memory_space<vmem>>) dst(%dma_wait3A_677 : memref<100x64xf32, #tpu.memory_space<hbm>>)
        %add3A_682 = arith.addi %mul3A_2, %add3A_663 : i32
        %dma_wait3A_683 = arith.constant 1 : i32
        %dma_wait3A_684 = arith.constant 0 : i32
        %dma_wait3A_685 = arith.constant 0 : i32
        %dma_wait3A_686 = tpu.memref_slice %arg10[%dma_wait3A_683, %dma_wait3A_684, %dma_wait3A_685] : memref<2x100x64xf32, #tpu.memory_space<vmem>> -> memref<1x100x64xf32, #tpu.memory_space<vmem>>
        %dma_wait3A_687 = tpu.memref_squeeze %dma_wait3A_686 : memref<1x100x64xf32, #tpu.memory_space<vmem>> -> memref<100x64xf32, #tpu.memory_space<vmem>>
        %dma_wait3A_688 = arith.constant 0 : i32
        %dma_wait3A_689 = arith.constant 64 : i32
        %dma_wait3A_690 = tpu.memref_slice %arg5[%add3A_682, %dma_wait3A_688, %dma_wait3A_689] : memref<4096x100x128xf32, #tpu.memory_space<hbm>> -> memref<1x100x64xf32, #tpu.memory_space<hbm>>
        %dma_wait3A_691 = tpu.memref_squeeze %dma_wait3A_690 : memref<1x100x64xf32, #tpu.memory_space<hbm>> -> memref<100x64xf32, #tpu.memory_space<hbm>>
        %dma_wait3A_692 = arith.constant 0 : i32
        %dma_wait3A_693 = arith.constant 64 : i32
        %dma_wait3A_694 = tpu.memref_slice %arg5[%add3A_682, %dma_wait3A_692, %dma_wait3A_693] : memref<4096x100x128xf32, #tpu.memory_space<hbm>> -> memref<1x100x64xf32, #tpu.memory_space<hbm>>
        %dma_wait3A_695 = tpu.memref_squeeze %dma_wait3A_694 : memref<1x100x64xf32, #tpu.memory_space<hbm>> -> memref<100x64xf32, #tpu.memory_space<hbm>>
        %dma_wait3A_696 = arith.constant 0 : i32
        %dma_wait3A_697 = arith.constant 0 : i32
        %dma_wait3A_698 = tpu.memref_slice %arg10[%dma_wait3A_683, %dma_wait3A_696, %dma_wait3A_697] : memref<2x100x64xf32, #tpu.memory_space<vmem>> -> memref<1x100x64xf32, #tpu.memory_space<vmem>>
        %dma_wait3A_699 = tpu.memref_squeeze %dma_wait3A_698 : memref<1x100x64xf32, #tpu.memory_space<vmem>> -> memref<100x64xf32, #tpu.memory_space<vmem>>
        tpu.wait_dma2 semaphore(%arg18 : memref<!tpu.dma_semaphore, #tpu.memory_space<semaphore_mem>>) src(%dma_wait3A_699 : memref<100x64xf32, #tpu.memory_space<vmem>>) dst(%dma_wait3A_695 : memref<100x64xf32, #tpu.memory_space<hbm>>)
        %add3A_700 = arith.constant 4 : i32
        %add3A_701 = arith.addi %add3A_663, %add3A_700 : i32
        %dma_start3A_702 = arith.constant 0 : i32
        %dma_start3A_703 = arith.constant 0 : i32
        %dma_start3A_704 = arith.constant 0 : i32
        %dma_start3A_705 = arith.constant 0 : i32
        %dma_start3A_706 = tpu.memref_slice %arg10[%dma_start3A_703, %dma_start3A_704, %dma_start3A_705] : memref<2x100x64xf32, #tpu.memory_space<vmem>> -> memref<1x100x64xf32, #tpu.memory_space<vmem>>
        %dma_start3A_707 = tpu.memref_squeeze %dma_start3A_706 : memref<1x100x64xf32, #tpu.memory_space<vmem>> -> memref<100x64xf32, #tpu.memory_space<vmem>>
        %dma_start3A_708 = arith.constant 0 : i32
        %dma_start3A_709 = tpu.memref_slice %arg6[%add3A_701, %dma_start3A_702, %dma_start3A_708] : memref<128x2x100xi32, #tpu.memory_space<vmem>> -> memref<1x1x100xi32, #tpu.memory_space<vmem>>
        %dma_start3A_710 = tpu.memref_squeeze %dma_start3A_709 : memref<1x1x100xi32, #tpu.memory_space<vmem>> -> memref<100xi32, #tpu.memory_space<vmem>>
        %dma_start3A_711 = arith.constant 0 : i32
        %dma_start3A_712 = arith.constant 0 : i32
        %dma_start3A_713 = tpu.memref_slice %arg3[%dma_start3A_711, %dma_start3A_712] : memref<2000000x64xf32, #tpu.memory_space<hbm>> -> memref<2000000x64xf32, #tpu.memory_space<hbm>>
        tpu.enqueue_indirect_dma source(%dma_start3A_713 : memref<2000000x64xf32, #tpu.memory_space<hbm>>) target(%dma_start3A_707 : memref<100x64xf32, #tpu.memory_space<vmem>>) offsets(%dma_start3A_710 : memref<100xi32, #tpu.memory_space<vmem>>) semaphore(%arg14 : memref<!tpu.dma_semaphore, #tpu.memory_space<semaphore_mem>>)
        %dma_start3A_714 = arith.constant 1 : i32
        %dma_start3A_715 = arith.constant 1 : i32
        %dma_start3A_716 = arith.constant 0 : i32
        %dma_start3A_717 = arith.constant 0 : i32
        %dma_start3A_718 = tpu.memref_slice %arg10[%dma_start3A_715, %dma_start3A_716, %dma_start3A_717] : memref<2x100x64xf32, #tpu.memory_space<vmem>> -> memref<1x100x64xf32, #tpu.memory_space<vmem>>
        %dma_start3A_719 = tpu.memref_squeeze %dma_start3A_718 : memref<1x100x64xf32, #tpu.memory_space<vmem>> -> memref<100x64xf32, #tpu.memory_space<vmem>>
        %dma_start3A_720 = arith.constant 0 : i32
        %dma_start3A_721 = tpu.memref_slice %arg6[%add3A_701, %dma_start3A_714, %dma_start3A_720] : memref<128x2x100xi32, #tpu.memory_space<vmem>> -> memref<1x1x100xi32, #tpu.memory_space<vmem>>
        %dma_start3A_722 = tpu.memref_squeeze %dma_start3A_721 : memref<1x1x100xi32, #tpu.memory_space<vmem>> -> memref<100xi32, #tpu.memory_space<vmem>>
        %dma_start3A_723 = arith.constant 0 : i32
        %dma_start3A_724 = arith.constant 0 : i32
        %dma_start3A_725 = tpu.memref_slice %arg3[%dma_start3A_723, %dma_start3A_724] : memref<2000000x64xf32, #tpu.memory_space<hbm>> -> memref<2000000x64xf32, #tpu.memory_space<hbm>>
        tpu.enqueue_indirect_dma source(%dma_start3A_725 : memref<2000000x64xf32, #tpu.memory_space<hbm>>) target(%dma_start3A_719 : memref<100x64xf32, #tpu.memory_space<vmem>>) offsets(%dma_start3A_722 : memref<100xi32, #tpu.memory_space<vmem>>) semaphore(%arg14 : memref<!tpu.dma_semaphore, #tpu.memory_space<semaphore_mem>>)
        %add3A_726 = arith.constant 3 : i32
        %add3A_727 = arith.addi %mul3A_263, %add3A_726 : i32
        %add3A_728 = arith.addi %mul3A_2, %add3A_727 : i32
        %dma_wait3A_729 = arith.constant 0 : i32
        %dma_wait3A_730 = arith.constant 0 : i32
        %dma_wait3A_731 = arith.constant 0 : i32
        %dma_wait3A_732 = tpu.memref_slice %arg11[%dma_wait3A_729, %dma_wait3A_730, %dma_wait3A_731] : memref<2x100x64xf32, #tpu.memory_space<vmem>> -> memref<1x100x64xf32, #tpu.memory_space<vmem>>
        %dma_wait3A_733 = tpu.memref_squeeze %dma_wait3A_732 : memref<1x100x64xf32, #tpu.memory_space<vmem>> -> memref<100x64xf32, #tpu.memory_space<vmem>>
        %dma_wait3A_734 = arith.constant 0 : i32
        %dma_wait3A_735 = arith.constant 0 : i32
        %dma_wait3A_736 = tpu.memref_slice %arg5[%add3A_728, %dma_wait3A_734, %dma_wait3A_735] : memref<4096x100x128xf32, #tpu.memory_space<hbm>> -> memref<1x100x64xf32, #tpu.memory_space<hbm>>
        %dma_wait3A_737 = tpu.memref_squeeze %dma_wait3A_736 : memref<1x100x64xf32, #tpu.memory_space<hbm>> -> memref<100x64xf32, #tpu.memory_space<hbm>>
        %dma_wait3A_738 = arith.constant 0 : i32
        %dma_wait3A_739 = arith.constant 0 : i32
        %dma_wait3A_740 = tpu.memref_slice %arg5[%add3A_728, %dma_wait3A_738, %dma_wait3A_739] : memref<4096x100x128xf32, #tpu.memory_space<hbm>> -> memref<1x100x64xf32, #tpu.memory_space<hbm>>
        %dma_wait3A_741 = tpu.memref_squeeze %dma_wait3A_740 : memref<1x100x64xf32, #tpu.memory_space<hbm>> -> memref<100x64xf32, #tpu.memory_space<hbm>>
        %dma_wait3A_742 = arith.constant 0 : i32
        %dma_wait3A_743 = arith.constant 0 : i32
        %dma_wait3A_744 = tpu.memref_slice %arg11[%dma_wait3A_729, %dma_wait3A_742, %dma_wait3A_743] : memref<2x100x64xf32, #tpu.memory_space<vmem>> -> memref<1x100x64xf32, #tpu.memory_space<vmem>>
        %dma_wait3A_745 = tpu.memref_squeeze %dma_wait3A_744 : memref<1x100x64xf32, #tpu.memory_space<vmem>> -> memref<100x64xf32, #tpu.memory_space<vmem>>
        tpu.wait_dma2 semaphore(%arg19 : memref<!tpu.dma_semaphore, #tpu.memory_space<semaphore_mem>>) src(%dma_wait3A_745 : memref<100x64xf32, #tpu.memory_space<vmem>>) dst(%dma_wait3A_741 : memref<100x64xf32, #tpu.memory_space<hbm>>)
        %add3A_746 = arith.addi %mul3A_2, %add3A_727 : i32
        %dma_wait3A_747 = arith.constant 1 : i32
        %dma_wait3A_748 = arith.constant 0 : i32
        %dma_wait3A_749 = arith.constant 0 : i32
        %dma_wait3A_750 = tpu.memref_slice %arg11[%dma_wait3A_747, %dma_wait3A_748, %dma_wait3A_749] : memref<2x100x64xf32, #tpu.memory_space<vmem>> -> memref<1x100x64xf32, #tpu.memory_space<vmem>>
        %dma_wait3A_751 = tpu.memref_squeeze %dma_wait3A_750 : memref<1x100x64xf32, #tpu.memory_space<vmem>> -> memref<100x64xf32, #tpu.memory_space<vmem>>
        %dma_wait3A_752 = arith.constant 0 : i32
        %dma_wait3A_753 = arith.constant 64 : i32
        %dma_wait3A_754 = tpu.memref_slice %arg5[%add3A_746, %dma_wait3A_752, %dma_wait3A_753] : memref<4096x100x128xf32, #tpu.memory_space<hbm>> -> memref<1x100x64xf32, #tpu.memory_space<hbm>>
        %dma_wait3A_755 = tpu.memref_squeeze %dma_wait3A_754 : memref<1x100x64xf32, #tpu.memory_space<hbm>> -> memref<100x64xf32, #tpu.memory_space<hbm>>
        %dma_wait3A_756 = arith.constant 0 : i32
        %dma_wait3A_757 = arith.constant 64 : i32
        %dma_wait3A_758 = tpu.memref_slice %arg5[%add3A_746, %dma_wait3A_756, %dma_wait3A_757] : memref<4096x100x128xf32, #tpu.memory_space<hbm>> -> memref<1x100x64xf32, #tpu.memory_space<hbm>>
        %dma_wait3A_759 = tpu.memref_squeeze %dma_wait3A_758 : memref<1x100x64xf32, #tpu.memory_space<hbm>> -> memref<100x64xf32, #tpu.memory_space<hbm>>
        %dma_wait3A_760 = arith.constant 0 : i32
        %dma_wait3A_761 = arith.constant 0 : i32
        %dma_wait3A_762 = tpu.memref_slice %arg11[%dma_wait3A_747, %dma_wait3A_760, %dma_wait3A_761] : memref<2x100x64xf32, #tpu.memory_space<vmem>> -> memref<1x100x64xf32, #tpu.memory_space<vmem>>
        %dma_wait3A_763 = tpu.memref_squeeze %dma_wait3A_762 : memref<1x100x64xf32, #tpu.memory_space<vmem>> -> memref<100x64xf32, #tpu.memory_space<vmem>>
        tpu.wait_dma2 semaphore(%arg19 : memref<!tpu.dma_semaphore, #tpu.memory_space<semaphore_mem>>) src(%dma_wait3A_763 : memref<100x64xf32, #tpu.memory_space<vmem>>) dst(%dma_wait3A_759 : memref<100x64xf32, #tpu.memory_space<hbm>>)
        %add3A_764 = arith.constant 4 : i32
        %add3A_765 = arith.addi %add3A_727, %add3A_764 : i32
        %dma_start3A_766 = arith.constant 0 : i32
        %dma_start3A_767 = arith.constant 0 : i32
        %dma_start3A_768 = arith.constant 0 : i32
        %dma_start3A_769 = arith.constant 0 : i32
        %dma_start3A_770 = tpu.memref_slice %arg11[%dma_start3A_767, %dma_start3A_768, %dma_start3A_769] : memref<2x100x64xf32, #tpu.memory_space<vmem>> -> memref<1x100x64xf32, #tpu.memory_space<vmem>>
        %dma_start3A_771 = tpu.memref_squeeze %dma_start3A_770 : memref<1x100x64xf32, #tpu.memory_space<vmem>> -> memref<100x64xf32, #tpu.memory_space<vmem>>
        %dma_start3A_772 = arith.constant 0 : i32
        %dma_start3A_773 = tpu.memref_slice %arg6[%add3A_765, %dma_start3A_766, %dma_start3A_772] : memref<128x2x100xi32, #tpu.memory_space<vmem>> -> memref<1x1x100xi32, #tpu.memory_space<vmem>>
        %dma_start3A_774 = tpu.memref_squeeze %dma_start3A_773 : memref<1x1x100xi32, #tpu.memory_space<vmem>> -> memref<100xi32, #tpu.memory_space<vmem>>
        %dma_start3A_775 = arith.constant 0 : i32
        %dma_start3A_776 = arith.constant 0 : i32
        %dma_start3A_777 = tpu.memref_slice %arg3[%dma_start3A_775, %dma_start3A_776] : memref<2000000x64xf32, #tpu.memory_space<hbm>> -> memref<2000000x64xf32, #tpu.memory_space<hbm>>
        tpu.enqueue_indirect_dma source(%dma_start3A_777 : memref<2000000x64xf32, #tpu.memory_space<hbm>>) target(%dma_start3A_771 : memref<100x64xf32, #tpu.memory_space<vmem>>) offsets(%dma_start3A_774 : memref<100xi32, #tpu.memory_space<vmem>>) semaphore(%arg15 : memref<!tpu.dma_semaphore, #tpu.memory_space<semaphore_mem>>)
        %dma_start3A_778 = arith.constant 1 : i32
        %dma_start3A_779 = arith.constant 1 : i32
        %dma_start3A_780 = arith.constant 0 : i32
        %dma_start3A_781 = arith.constant 0 : i32
        %dma_start3A_782 = tpu.memref_slice %arg11[%dma_start3A_779, %dma_start3A_780, %dma_start3A_781] : memref<2x100x64xf32, #tpu.memory_space<vmem>> -> memref<1x100x64xf32, #tpu.memory_space<vmem>>
        %dma_start3A_783 = tpu.memref_squeeze %dma_start3A_782 : memref<1x100x64xf32, #tpu.memory_space<vmem>> -> memref<100x64xf32, #tpu.memory_space<vmem>>
        %dma_start3A_784 = arith.constant 0 : i32
        %dma_start3A_785 = tpu.memref_slice %arg6[%add3A_765, %dma_start3A_778, %dma_start3A_784] : memref<128x2x100xi32, #tpu.memory_space<vmem>> -> memref<1x1x100xi32, #tpu.memory_space<vmem>>
        %dma_start3A_786 = tpu.memref_squeeze %dma_start3A_785 : memref<1x1x100xi32, #tpu.memory_space<vmem>> -> memref<100xi32, #tpu.memory_space<vmem>>
        %dma_start3A_787 = arith.constant 0 : i32
        %dma_start3A_788 = arith.constant 0 : i32
        %dma_start3A_789 = tpu.memref_slice %arg3[%dma_start3A_787, %dma_start3A_788] : memref<2000000x64xf32, #tpu.memory_space<hbm>> -> memref<2000000x64xf32, #tpu.memory_space<hbm>>
        tpu.enqueue_indirect_dma source(%dma_start3A_789 : memref<2000000x64xf32, #tpu.memory_space<hbm>>) target(%dma_start3A_783 : memref<100x64xf32, #tpu.memory_space<vmem>>) offsets(%dma_start3A_786 : memref<100xi32, #tpu.memory_space<vmem>>) semaphore(%arg15 : memref<!tpu.dma_semaphore, #tpu.memory_space<semaphore_mem>>)
      } else {
      }
    }
    %scan3A_109 = arith.constant 32 : i32
    %add3A_110 = arith.constant 124 : i32
    %add3A_111 = arith.addi %mul3A_2, %add3A_110 : i32
    %dma_wait3A = arith.constant 0 : i32
    %dma_wait3A_112 = arith.constant 0 : i32
    %dma_wait3A_113 = arith.constant 0 : i32
    %dma_wait3A_114 = tpu.memref_slice %arg8[%dma_wait3A, %dma_wait3A_112, %dma_wait3A_113] : memref<2x100x64xf32, #tpu.memory_space<vmem>> -> memref<1x100x64xf32, #tpu.memory_space<vmem>>
    %dma_wait3A_115 = tpu.memref_squeeze %dma_wait3A_114 : memref<1x100x64xf32, #tpu.memory_space<vmem>> -> memref<100x64xf32, #tpu.memory_space<vmem>>
    %dma_wait3A_116 = arith.constant 0 : i32
    %dma_wait3A_117 = arith.constant 0 : i32
    %dma_wait3A_118 = tpu.memref_slice %arg5[%add3A_111, %dma_wait3A_116, %dma_wait3A_117] : memref<4096x100x128xf32, #tpu.memory_space<hbm>> -> memref<1x100x64xf32, #tpu.memory_space<hbm>>
    %dma_wait3A_119 = tpu.memref_squeeze %dma_wait3A_118 : memref<1x100x64xf32, #tpu.memory_space<hbm>> -> memref<100x64xf32, #tpu.memory_space<hbm>>
    %dma_wait3A_120 = arith.constant 0 : i32
    %dma_wait3A_121 = arith.constant 0 : i32
    %dma_wait3A_122 = tpu.memref_slice %arg5[%add3A_111, %dma_wait3A_120, %dma_wait3A_121] : memref<4096x100x128xf32, #tpu.memory_space<hbm>> -> memref<1x100x64xf32, #tpu.memory_space<hbm>>
    %dma_wait3A_123 = tpu.memref_squeeze %dma_wait3A_122 : memref<1x100x64xf32, #tpu.memory_space<hbm>> -> memref<100x64xf32, #tpu.memory_space<hbm>>
    %dma_wait3A_124 = arith.constant 0 : i32
    %dma_wait3A_125 = arith.constant 0 : i32
    %dma_wait3A_126 = tpu.memref_slice %arg8[%dma_wait3A, %dma_wait3A_124, %dma_wait3A_125] : memref<2x100x64xf32, #tpu.memory_space<vmem>> -> memref<1x100x64xf32, #tpu.memory_space<vmem>>
    %dma_wait3A_127 = tpu.memref_squeeze %dma_wait3A_126 : memref<1x100x64xf32, #tpu.memory_space<vmem>> -> memref<100x64xf32, #tpu.memory_space<vmem>>
    tpu.wait_dma2 semaphore(%arg16 : memref<!tpu.dma_semaphore, #tpu.memory_space<semaphore_mem>>) src(%dma_wait3A_127 : memref<100x64xf32, #tpu.memory_space<vmem>>) dst(%dma_wait3A_123 : memref<100x64xf32, #tpu.memory_space<hbm>>)
    %add3A_128 = arith.constant 124 : i32
    %add3A_129 = arith.addi %mul3A_2, %add3A_128 : i32
    %dma_wait3A_130 = arith.constant 1 : i32
    %dma_wait3A_131 = arith.constant 0 : i32
    %dma_wait3A_132 = arith.constant 0 : i32
    %dma_wait3A_133 = tpu.memref_slice %arg8[%dma_wait3A_130, %dma_wait3A_131, %dma_wait3A_132] : memref<2x100x64xf32, #tpu.memory_space<vmem>> -> memref<1x100x64xf32, #tpu.memory_space<vmem>>
    %dma_wait3A_134 = tpu.memref_squeeze %dma_wait3A_133 : memref<1x100x64xf32, #tpu.memory_space<vmem>> -> memref<100x64xf32, #tpu.memory_space<vmem>>
    %dma_wait3A_135 = arith.constant 0 : i32
    %dma_wait3A_136 = arith.constant 64 : i32
    %dma_wait3A_137 = tpu.memref_slice %arg5[%add3A_129, %dma_wait3A_135, %dma_wait3A_136] : memref<4096x100x128xf32, #tpu.memory_space<hbm>> -> memref<1x100x64xf32, #tpu.memory_space<hbm>>
    %dma_wait3A_138 = tpu.memref_squeeze %dma_wait3A_137 : memref<1x100x64xf32, #tpu.memory_space<hbm>> -> memref<100x64xf32, #tpu.memory_space<hbm>>
    %dma_wait3A_139 = arith.constant 0 : i32
    %dma_wait3A_140 = arith.constant 64 : i32
    %dma_wait3A_141 = tpu.memref_slice %arg5[%add3A_129, %dma_wait3A_139, %dma_wait3A_140] : memref<4096x100x128xf32, #tpu.memory_space<hbm>> -> memref<1x100x64xf32, #tpu.memory_space<hbm>>
    %dma_wait3A_142 = tpu.memref_squeeze %dma_wait3A_141 : memref<1x100x64xf32, #tpu.memory_space<hbm>> -> memref<100x64xf32, #tpu.memory_space<hbm>>
    %dma_wait3A_143 = arith.constant 0 : i32
    %dma_wait3A_144 = arith.constant 0 : i32
    %dma_wait3A_145 = tpu.memref_slice %arg8[%dma_wait3A_130, %dma_wait3A_143, %dma_wait3A_144] : memref<2x100x64xf32, #tpu.memory_space<vmem>> -> memref<1x100x64xf32, #tpu.memory_space<vmem>>
    %dma_wait3A_146 = tpu.memref_squeeze %dma_wait3A_145 : memref<1x100x64xf32, #tpu.memory_space<vmem>> -> memref<100x64xf32, #tpu.memory_space<vmem>>
    tpu.wait_dma2 semaphore(%arg16 : memref<!tpu.dma_semaphore, #tpu.memory_space<semaphore_mem>>) src(%dma_wait3A_146 : memref<100x64xf32, #tpu.memory_space<vmem>>) dst(%dma_wait3A_142 : memref<100x64xf32, #tpu.memory_space<hbm>>)
    %add3A_147 = arith.constant 125 : i32
    %add3A_148 = arith.addi %mul3A_2, %add3A_147 : i32
    %dma_wait3A_149 = arith.constant 0 : i32
    %dma_wait3A_150 = arith.constant 0 : i32
    %dma_wait3A_151 = arith.constant 0 : i32
    %dma_wait3A_152 = tpu.memref_slice %arg9[%dma_wait3A_149, %dma_wait3A_150, %dma_wait3A_151] : memref<2x100x64xf32, #tpu.memory_space<vmem>> -> memref<1x100x64xf32, #tpu.memory_space<vmem>>
    %dma_wait3A_153 = tpu.memref_squeeze %dma_wait3A_152 : memref<1x100x64xf32, #tpu.memory_space<vmem>> -> memref<100x64xf32, #tpu.memory_space<vmem>>
    %dma_wait3A_154 = arith.constant 0 : i32
    %dma_wait3A_155 = arith.constant 0 : i32
    %dma_wait3A_156 = tpu.memref_slice %arg5[%add3A_148, %dma_wait3A_154, %dma_wait3A_155] : memref<4096x100x128xf32, #tpu.memory_space<hbm>> -> memref<1x100x64xf32, #tpu.memory_space<hbm>>
    %dma_wait3A_157 = tpu.memref_squeeze %dma_wait3A_156 : memref<1x100x64xf32, #tpu.memory_space<hbm>> -> memref<100x64xf32, #tpu.memory_space<hbm>>
    %dma_wait3A_158 = arith.constant 0 : i32
    %dma_wait3A_159 = arith.constant 0 : i32
    %dma_wait3A_160 = tpu.memref_slice %arg5[%add3A_148, %dma_wait3A_158, %dma_wait3A_159] : memref<4096x100x128xf32, #tpu.memory_space<hbm>> -> memref<1x100x64xf32, #tpu.memory_space<hbm>>
    %dma_wait3A_161 = tpu.memref_squeeze %dma_wait3A_160 : memref<1x100x64xf32, #tpu.memory_space<hbm>> -> memref<100x64xf32, #tpu.memory_space<hbm>>
    %dma_wait3A_162 = arith.constant 0 : i32
    %dma_wait3A_163 = arith.constant 0 : i32
    %dma_wait3A_164 = tpu.memref_slice %arg9[%dma_wait3A_149, %dma_wait3A_162, %dma_wait3A_163] : memref<2x100x64xf32, #tpu.memory_space<vmem>> -> memref<1x100x64xf32, #tpu.memory_space<vmem>>
    %dma_wait3A_165 = tpu.memref_squeeze %dma_wait3A_164 : memref<1x100x64xf32, #tpu.memory_space<vmem>> -> memref<100x64xf32, #tpu.memory_space<vmem>>
    tpu.wait_dma2 semaphore(%arg17 : memref<!tpu.dma_semaphore, #tpu.memory_space<semaphore_mem>>) src(%dma_wait3A_165 : memref<100x64xf32, #tpu.memory_space<vmem>>) dst(%dma_wait3A_161 : memref<100x64xf32, #tpu.memory_space<hbm>>)
    %add3A_166 = arith.constant 125 : i32
    %add3A_167 = arith.addi %mul3A_2, %add3A_166 : i32
    %dma_wait3A_168 = arith.constant 1 : i32
    %dma_wait3A_169 = arith.constant 0 : i32
    %dma_wait3A_170 = arith.constant 0 : i32
    %dma_wait3A_171 = tpu.memref_slice %arg9[%dma_wait3A_168, %dma_wait3A_169, %dma_wait3A_170] : memref<2x100x64xf32, #tpu.memory_space<vmem>> -> memref<1x100x64xf32, #tpu.memory_space<vmem>>
    %dma_wait3A_172 = tpu.memref_squeeze %dma_wait3A_171 : memref<1x100x64xf32, #tpu.memory_space<vmem>> -> memref<100x64xf32, #tpu.memory_space<vmem>>
    %dma_wait3A_173 = arith.constant 0 : i32
    %dma_wait3A_174 = arith.constant 64 : i32
    %dma_wait3A_175 = tpu.memref_slice %arg5[%add3A_167, %dma_wait3A_173, %dma_wait3A_174] : memref<4096x100x128xf32, #tpu.memory_space<hbm>> -> memref<1x100x64xf32, #tpu.memory_space<hbm>>
    %dma_wait3A_176 = tpu.memref_squeeze %dma_wait3A_175 : memref<1x100x64xf32, #tpu.memory_space<hbm>> -> memref<100x64xf32, #tpu.memory_space<hbm>>
    %dma_wait3A_177 = arith.constant 0 : i32
    %dma_wait3A_178 = arith.constant 64 : i32
    %dma_wait3A_179 = tpu.memref_slice %arg5[%add3A_167, %dma_wait3A_177, %dma_wait3A_178] : memref<4096x100x128xf32, #tpu.memory_space<hbm>> -> memref<1x100x64xf32, #tpu.memory_space<hbm>>
    %dma_wait3A_180 = tpu.memref_squeeze %dma_wait3A_179 : memref<1x100x64xf32, #tpu.memory_space<hbm>> -> memref<100x64xf32, #tpu.memory_space<hbm>>
    %dma_wait3A_181 = arith.constant 0 : i32
    %dma_wait3A_182 = arith.constant 0 : i32
    %dma_wait3A_183 = tpu.memref_slice %arg9[%dma_wait3A_168, %dma_wait3A_181, %dma_wait3A_182] : memref<2x100x64xf32, #tpu.memory_space<vmem>> -> memref<1x100x64xf32, #tpu.memory_space<vmem>>
    %dma_wait3A_184 = tpu.memref_squeeze %dma_wait3A_183 : memref<1x100x64xf32, #tpu.memory_space<vmem>> -> memref<100x64xf32, #tpu.memory_space<vmem>>
    tpu.wait_dma2 semaphore(%arg17 : memref<!tpu.dma_semaphore, #tpu.memory_space<semaphore_mem>>) src(%dma_wait3A_184 : memref<100x64xf32, #tpu.memory_space<vmem>>) dst(%dma_wait3A_180 : memref<100x64xf32, #tpu.memory_space<hbm>>)
    %add3A_185 = arith.constant 126 : i32
    %add3A_186 = arith.addi %mul3A_2, %add3A_185 : i32
    %dma_wait3A_187 = arith.constant 0 : i32
    %dma_wait3A_188 = arith.constant 0 : i32
    %dma_wait3A_189 = arith.constant 0 : i32
    %dma_wait3A_190 = tpu.memref_slice %arg10[%dma_wait3A_187, %dma_wait3A_188, %dma_wait3A_189] : memref<2x100x64xf32, #tpu.memory_space<vmem>> -> memref<1x100x64xf32, #tpu.memory_space<vmem>>
    %dma_wait3A_191 = tpu.memref_squeeze %dma_wait3A_190 : memref<1x100x64xf32, #tpu.memory_space<vmem>> -> memref<100x64xf32, #tpu.memory_space<vmem>>
    %dma_wait3A_192 = arith.constant 0 : i32
    %dma_wait3A_193 = arith.constant 0 : i32
    %dma_wait3A_194 = tpu.memref_slice %arg5[%add3A_186, %dma_wait3A_192, %dma_wait3A_193] : memref<4096x100x128xf32, #tpu.memory_space<hbm>> -> memref<1x100x64xf32, #tpu.memory_space<hbm>>
    %dma_wait3A_195 = tpu.memref_squeeze %dma_wait3A_194 : memref<1x100x64xf32, #tpu.memory_space<hbm>> -> memref<100x64xf32, #tpu.memory_space<hbm>>
    %dma_wait3A_196 = arith.constant 0 : i32
    %dma_wait3A_197 = arith.constant 0 : i32
    %dma_wait3A_198 = tpu.memref_slice %arg5[%add3A_186, %dma_wait3A_196, %dma_wait3A_197] : memref<4096x100x128xf32, #tpu.memory_space<hbm>> -> memref<1x100x64xf32, #tpu.memory_space<hbm>>
    %dma_wait3A_199 = tpu.memref_squeeze %dma_wait3A_198 : memref<1x100x64xf32, #tpu.memory_space<hbm>> -> memref<100x64xf32, #tpu.memory_space<hbm>>
    %dma_wait3A_200 = arith.constant 0 : i32
    %dma_wait3A_201 = arith.constant 0 : i32
    %dma_wait3A_202 = tpu.memref_slice %arg10[%dma_wait3A_187, %dma_wait3A_200, %dma_wait3A_201] : memref<2x100x64xf32, #tpu.memory_space<vmem>> -> memref<1x100x64xf32, #tpu.memory_space<vmem>>
    %dma_wait3A_203 = tpu.memref_squeeze %dma_wait3A_202 : memref<1x100x64xf32, #tpu.memory_space<vmem>> -> memref<100x64xf32, #tpu.memory_space<vmem>>
    tpu.wait_dma2 semaphore(%arg18 : memref<!tpu.dma_semaphore, #tpu.memory_space<semaphore_mem>>) src(%dma_wait3A_203 : memref<100x64xf32, #tpu.memory_space<vmem>>) dst(%dma_wait3A_199 : memref<100x64xf32, #tpu.memory_space<hbm>>)
    %add3A_204 = arith.constant 126 : i32
    %add3A_205 = arith.addi %mul3A_2, %add3A_204 : i32
    %dma_wait3A_206 = arith.constant 1 : i32
    %dma_wait3A_207 = arith.constant 0 : i32
    %dma_wait3A_208 = arith.constant 0 : i32
    %dma_wait3A_209 = tpu.memref_slice %arg10[%dma_wait3A_206, %dma_wait3A_207, %dma_wait3A_208] : memref<2x100x64xf32, #tpu.memory_space<vmem>> -> memref<1x100x64xf32, #tpu.memory_space<vmem>>
    %dma_wait3A_210 = tpu.memref_squeeze %dma_wait3A_209 : memref<1x100x64xf32, #tpu.memory_space<vmem>> -> memref<100x64xf32, #tpu.memory_space<vmem>>
    %dma_wait3A_211 = arith.constant 0 : i32
    %dma_wait3A_212 = arith.constant 64 : i32
    %dma_wait3A_213 = tpu.memref_slice %arg5[%add3A_205, %dma_wait3A_211, %dma_wait3A_212] : memref<4096x100x128xf32, #tpu.memory_space<hbm>> -> memref<1x100x64xf32, #tpu.memory_space<hbm>>
    %dma_wait3A_214 = tpu.memref_squeeze %dma_wait3A_213 : memref<1x100x64xf32, #tpu.memory_space<hbm>> -> memref<100x64xf32, #tpu.memory_space<hbm>>
    %dma_wait3A_215 = arith.constant 0 : i32
    %dma_wait3A_216 = arith.constant 64 : i32
    %dma_wait3A_217 = tpu.memref_slice %arg5[%add3A_205, %dma_wait3A_215, %dma_wait3A_216] : memref<4096x100x128xf32, #tpu.memory_space<hbm>> -> memref<1x100x64xf32, #tpu.memory_space<hbm>>
    %dma_wait3A_218 = tpu.memref_squeeze %dma_wait3A_217 : memref<1x100x64xf32, #tpu.memory_space<hbm>> -> memref<100x64xf32, #tpu.memory_space<hbm>>
    %dma_wait3A_219 = arith.constant 0 : i32
    %dma_wait3A_220 = arith.constant 0 : i32
    %dma_wait3A_221 = tpu.memref_slice %arg10[%dma_wait3A_206, %dma_wait3A_219, %dma_wait3A_220] : memref<2x100x64xf32, #tpu.memory_space<vmem>> -> memref<1x100x64xf32, #tpu.memory_space<vmem>>
    %dma_wait3A_222 = tpu.memref_squeeze %dma_wait3A_221 : memref<1x100x64xf32, #tpu.memory_space<vmem>> -> memref<100x64xf32, #tpu.memory_space<vmem>>
    tpu.wait_dma2 semaphore(%arg18 : memref<!tpu.dma_semaphore, #tpu.memory_space<semaphore_mem>>) src(%dma_wait3A_222 : memref<100x64xf32, #tpu.memory_space<vmem>>) dst(%dma_wait3A_218 : memref<100x64xf32, #tpu.memory_space<hbm>>)
    %add3A_223 = arith.constant 127 : i32
    %add3A_224 = arith.addi %mul3A_2, %add3A_223 : i32
    %dma_wait3A_225 = arith.constant 0 : i32
    %dma_wait3A_226 = arith.constant 0 : i32
    %dma_wait3A_227 = arith.constant 0 : i32
    %dma_wait3A_228 = tpu.memref_slice %arg11[%dma_wait3A_225, %dma_wait3A_226, %dma_wait3A_227] : memref<2x100x64xf32, #tpu.memory_space<vmem>> -> memref<1x100x64xf32, #tpu.memory_space<vmem>>
    %dma_wait3A_229 = tpu.memref_squeeze %dma_wait3A_228 : memref<1x100x64xf32, #tpu.memory_space<vmem>> -> memref<100x64xf32, #tpu.memory_space<vmem>>
    %dma_wait3A_230 = arith.constant 0 : i32
    %dma_wait3A_231 = arith.constant 0 : i32
    %dma_wait3A_232 = tpu.memref_slice %arg5[%add3A_224, %dma_wait3A_230, %dma_wait3A_231] : memref<4096x100x128xf32, #tpu.memory_space<hbm>> -> memref<1x100x64xf32, #tpu.memory_space<hbm>>
    %dma_wait3A_233 = tpu.memref_squeeze %dma_wait3A_232 : memref<1x100x64xf32, #tpu.memory_space<hbm>> -> memref<100x64xf32, #tpu.memory_space<hbm>>
    %dma_wait3A_234 = arith.constant 0 : i32
    %dma_wait3A_235 = arith.constant 0 : i32
    %dma_wait3A_236 = tpu.memref_slice %arg5[%add3A_224, %dma_wait3A_234, %dma_wait3A_235] : memref<4096x100x128xf32, #tpu.memory_space<hbm>> -> memref<1x100x64xf32, #tpu.memory_space<hbm>>
    %dma_wait3A_237 = tpu.memref_squeeze %dma_wait3A_236 : memref<1x100x64xf32, #tpu.memory_space<hbm>> -> memref<100x64xf32, #tpu.memory_space<hbm>>
    %dma_wait3A_238 = arith.constant 0 : i32
    %dma_wait3A_239 = arith.constant 0 : i32
    %dma_wait3A_240 = tpu.memref_slice %arg11[%dma_wait3A_225, %dma_wait3A_238, %dma_wait3A_239] : memref<2x100x64xf32, #tpu.memory_space<vmem>> -> memref<1x100x64xf32, #tpu.memory_space<vmem>>
    %dma_wait3A_241 = tpu.memref_squeeze %dma_wait3A_240 : memref<1x100x64xf32, #tpu.memory_space<vmem>> -> memref<100x64xf32, #tpu.memory_space<vmem>>
    tpu.wait_dma2 semaphore(%arg19 : memref<!tpu.dma_semaphore, #tpu.memory_space<semaphore_mem>>) src(%dma_wait3A_241 : memref<100x64xf32, #tpu.memory_space<vmem>>) dst(%dma_wait3A_237 : memref<100x64xf32, #tpu.memory_space<hbm>>)
    %add3A_242 = arith.constant 127 : i32
    %add3A_243 = arith.addi %mul3A_2, %add3A_242 : i32
    %dma_wait3A_244 = arith.constant 1 : i32
    %dma_wait3A_245 = arith.constant 0 : i32
    %dma_wait3A_246 = arith.constant 0 : i32
    %dma_wait3A_247 = tpu.memref_slice %arg11[%dma_wait3A_244, %dma_wait3A_245, %dma_wait3A_246] : memref<2x100x64xf32, #tpu.memory_space<vmem>> -> memref<1x100x64xf32, #tpu.memory_space<vmem>>
    %dma_wait3A_248 = tpu.memref_squeeze %dma_wait3A_247 : memref<1x100x64xf32, #tpu.memory_space<vmem>> -> memref<100x64xf32, #tpu.memory_space<vmem>>
    %dma_wait3A_249 = arith.constant 0 : i32
    %dma_wait3A_250 = arith.constant 64 : i32
    %dma_wait3A_251 = tpu.memref_slice %arg5[%add3A_243, %dma_wait3A_249, %dma_wait3A_250] : memref<4096x100x128xf32, #tpu.memory_space<hbm>> -> memref<1x100x64xf32, #tpu.memory_space<hbm>>
    %dma_wait3A_252 = tpu.memref_squeeze %dma_wait3A_251 : memref<1x100x64xf32, #tpu.memory_space<hbm>> -> memref<100x64xf32, #tpu.memory_space<hbm>>
    %dma_wait3A_253 = arith.constant 0 : i32
    %dma_wait3A_254 = arith.constant 64 : i32
    %dma_wait3A_255 = tpu.memref_slice %arg5[%add3A_243, %dma_wait3A_253, %dma_wait3A_254] : memref<4096x100x128xf32, #tpu.memory_space<hbm>> -> memref<1x100x64xf32, #tpu.memory_space<hbm>>
    %dma_wait3A_256 = tpu.memref_squeeze %dma_wait3A_255 : memref<1x100x64xf32, #tpu.memory_space<hbm>> -> memref<100x64xf32, #tpu.memory_space<hbm>>
    %dma_wait3A_257 = arith.constant 0 : i32
    %dma_wait3A_258 = arith.constant 0 : i32
    %dma_wait3A_259 = tpu.memref_slice %arg11[%dma_wait3A_244, %dma_wait3A_257, %dma_wait3A_258] : memref<2x100x64xf32, #tpu.memory_space<vmem>> -> memref<1x100x64xf32, #tpu.memory_space<vmem>>
    %dma_wait3A_260 = tpu.memref_squeeze %dma_wait3A_259 : memref<1x100x64xf32, #tpu.memory_space<vmem>> -> memref<100x64xf32, #tpu.memory_space<vmem>>
    tpu.wait_dma2 semaphore(%arg19 : memref<!tpu.dma_semaphore, #tpu.memory_space<semaphore_mem>>) src(%dma_wait3A_260 : memref<100x64xf32, #tpu.memory_space<vmem>>) dst(%dma_wait3A_256 : memref<100x64xf32, #tpu.memory_space<hbm>>)
    return
  }
}

</mosaic_0001>

<sc_bundles>
// kernel: kernel.3.cloned.1.call-start
scs
__scs_entry_jumppad:
0x0: {  	(pc) =	sbr.rel $0x88, $3  }
0x1: {  	(tag) =	ssettag $0x0;
	lr =	simm.s32 $0x1  }
0x2: {  	[smem:$0x3F9E] =	sst lr;
	_ =	strace $0xD0000000  }
0x3: {  	_ = 	snop  }
0x4: {  	_ = 	snop  }
0x5: {  	_ = 	snop  }
0x6: {  	_ = 	snop  }
0x7: {  	_ = 	snop  }
__scs_overlays_trampoline_lowered:
0x8: {  	[smem:$0x3FAD] =	sst s0  }
0x9: {  	[smem:$0x3FAE] =	sst s1  }
0xa: {  	[smem:$0x3FAF] =	sst s2  }
0xb: {  	[smem:$0x3FB0] =	sst s3  }
0xc: {  	[smem:$0x3FB1] =	sst s4  }
0xd: {  	[smem:$0x3FB2] =	sst s5  }
0xe: {  	[smem:$0x3FB3] =	sst s6  }
0xf: {  	[smem:$0x3FB4] =	sst s7  }
0x10: {  	[smem:$0x3FB5] =	sst s8  }
0x11: {  	[smem:$0x3FB6] =	sst s9;
	s0 =	simm.s32 @!p0 $0x0  }
0x12: {  	s1 =	sld [smem:$0x3F9C];
	s0 =	simm.s32 @p0 $0x1  }
0x13: {  	[smem:$0x3FB7] =	sst s0;
	s0 =	simm.s32 @!p1 $0x0  }
0x14: {  	s2 =	sld [smem:$0x3F9B];
	s0 =	simm.s32 @p1 $0x1  }
0x15: {  	[smem:$0x3FB8] =	sst s0;
	s0 =	simm.s32 @!p2 $0x0  }
0x16: {  	s3 =	sld [smem:$0x3FDB];
	s0 =	simm.s32 @p2 $0x1  }
0x17: {  	s4 =	simm.s32 $0x1BF5;
	[smem:$0x3FBA] =	sst s0  }
0x18: {  	s0 =	sld [smem:$0x3F9D];
	_ =	swait.ge [sflag:s4], $0x0  }
0x19: {  	s7 =	sld [smem:$0x3F9E]  }
0x1a: {  	s8 =	sadd.s32 $0xFFFFE003, lr  }
0x1b: {  	s9 =	sadd.s32 $0xFFFFFEF7, lr;
	s5 =	simm.s32 $0xFFFFFFFF;
	p2 =	slt.u32 s8, $0xFFFFF086  }
0x1c: {  	p1 =	slt.u32 s9, $0xF7A;
	s5 =	simm.s32 @!p2 $0x0  }
0x1d: {  	s5 =	simm.s32 @p1 $0x1;
	p0 =	seq.s32 s7, s2  }
0x1e: {  	s7 =	smul.u32 @!p0 $0xF7A, s2;
	p2 =	seq.s32 @!p0 s5, $0x0  }
0x1f: {  	s9 =	smul.u32 $0xF7A, s1;
	s8 =	simm.s32 @!p0 $0x1BF5;
	p2 =	por !p2, p0  }
0x20: {  	[sflag:s8] =	ssyncset.s32 @!p0 $0xFFFFF086;
	s6 =	sadd.s32 @!p0 s3, s7;
	s7 =	simm.s32 @!p0 $0x108  }
0x21: {  	s3 =	sadd.s32 s3, s9;
	s6 =	sadd.s32 @!p0 $0x88, s6;
	s7 =	simm.s32 @p2 $0x1082  }
0x22: {  	[simem:s7], [sflag:s8] =	dma.local @!p0 [hbm:s6], $0xF7A  }
0x23: {  	s9 =	sor.u32 $0xD0000000, s2;
	s6 =	simm.s32 $0x108;
	_ =	swait.ge @!p0 [sflag:s8], $0x0  }
0x24: {  	s3 =	sadd.s32 $0x88, s3;
	s6 =	simm.s32 @!p1 $0x1082;
	[sflag:s4] =	ssyncset.s32 $0xFFFFF086  }
0x25: {  	[simem:s6], [sflag:s4] =	dma.local [hbm:s3], $0xF7A  }
0x26: {  	[smem:$0x3F9E] =	sst s1;
	(tag) =	ssettag s2;
	_ =	strace s9  }
0x27: {  	s1 =	sld [smem:$0x3FAE]  }
0x28: {  	s2 =	sld [smem:$0x3FAF]  }
0x29: {  	s4 =	sld [smem:$0x3FB1]  }
0x2a: {  	p0 =	seq.s32 s5, $0x0;
	s5 =	sld [smem:$0x3FB2]  }
0x2b: {  	s6 =	sld [smem:$0x3FB3]  }
0x2c: {  	s7 =	sld [smem:$0x3FB4]  }
0x2d: {  	s3 =	simm.s32 $0x108;
	s8 =	sld [smem:$0x3FB5]  }
0x2e: {  	s3 =	simm.s32 @!p0 $0x1082;
	s9 =	sld [smem:$0x3FB6]  }
0x2f: {  	lr =	sadd.s32 s0, s3;
	s0 =	sld [smem:$0x3FAD]  }
0x30: {  	s3 =	sld [smem:$0x3FB0]  }
0x31: {  	[smem:$0x3FB9] =	sst s10  }
0x32: {  	s10 =	sld [smem:$0x3FB7];
	_ =	sdelay $0x3  }
0x33: {  	p0 =	seq.s32 s10, $0x1;
	s10 =	sld [smem:$0x3FB9];
	_ =	sdelay $0x3  }
0x34: {  	[smem:$0x3FB9] =	sst s10  }
0x35: {  	s10 =	sld [smem:$0x3FB8];
	_ =	sdelay $0x3  }
0x36: {  	p1 =	seq.s32 s10, $0x1;
	s10 =	sld [smem:$0x3FB9];
	_ =	sdelay $0x3  }
0x37: {  	[smem:$0x3FB9] =	sst s10  }
0x38: {  	s10 =	sld [smem:$0x3FBA]  }
0x39: {  	_ = 	snop;
	(pc) =	sbr.ind lr, $3  }
0x3a: {  	_ = 	snop  }
0x3b: {  	_ = 	snop  }
0x3c: {  	p2 =	seq.s32 s10, $0x1;
	s10 =	sld [smem:$0x3FB9]  }
0x3d: {  	_ =	shalt  }
0x3e: {  	_ =	shalt  }
0x3f: {  	_ =	shalt  }
0x40: {  	_ =	shalt  }
0x41: {  	_ =	shalt  }
0x42: {  	_ =	shalt  }
0x43: {  	_ =	shalt  }
0x44: {  	_ =	shalt  }
0x45: {  	_ =	shalt  }
0x46: {  	_ =	shalt  }
0x47: {  	_ =	shalt  }
0x48: {  	_ =	shalt  }
0x49: {  	_ =	shalt  }
0x4a: {  	_ =	shalt  }
0x4b: {  	_ =	shalt  }
0x4c: {  	_ =	shalt  }
0x4d: {  	_ =	shalt  }
0x4e: {  	_ =	shalt  }
0x4f: {  	_ =	shalt  }
0x50: {  	_ =	shalt  }
0x51: {  	_ =	shalt  }
0x52: {  	_ =	shalt  }
0x53: {  	_ =	shalt  }
0x54: {  	_ =	shalt  }
0x55: {  	_ =	shalt  }
0x56: {  	_ =	shalt  }
0x57: {  	_ =	shalt  }
0x58: {  	_ =	shalt  }
0x59: {  	_ =	shalt  }
0x5a: {  	_ =	shalt  }
0x5b: {  	_ =	shalt  }
0x5c: {  	_ =	shalt  }
0x5d: {  	_ =	shalt  }
0x5e: {  	_ =	shalt  }
0x5f: {  	_ =	shalt  }
0x60: {  	_ =	shalt  }
0x61: {  	_ =	shalt  }
0x62: {  	_ =	shalt  }
0x63: {  	_ =	shalt  }
0x64: {  	_ =	shalt  }
0x65: {  	_ =	shalt  }
0x66: {  	_ =	shalt  }
0x67: {  	_ =	shalt  }
0x68: {  	_ =	shalt  }
0x69: {  	_ =	shalt  }
0x6a: {  	_ =	shalt  }
0x6b: {  	_ =	shalt  }
0x6c: {  	_ =	shalt  }
0x6d: {  	_ =	shalt  }
0x6e: {  	_ =	shalt  }
0x6f: {  	_ =	shalt  }
0x70: {  	_ =	shalt  }
0x71: {  	_ =	shalt  }
0x72: {  	_ =	shalt  }
0x73: {  	_ =	shalt  }
0x74: {  	_ =	shalt  }
0x75: {  	_ =	shalt  }
0x76: {  	_ =	shalt  }
0x77: {  	_ =	shalt  }
0x78: {  	_ =	shalt  }
0x79: {  	_ =	shalt  }
0x7a: {  	_ =	shalt  }
0x7b: {  	_ =	shalt  }
0x7c: {  	_ =	shalt  }
0x7d: {  	_ =	shalt  }
0x7e: {  	_ =	shalt  }
0x7f: {  	_ =	shalt  }
0x80: {  	_ =	shalt  }
0x81: {  	_ =	shalt  }
0x82: {  	_ =	shalt  }
0x83: {  	_ =	shalt  }
0x84: {  	_ =	shalt  }
0x85: {  	_ =	shalt  }
0x86: {  	_ =	shalt  }
0x87: {  	_ =	shalt  }
.Lfunc_end0:
.L_simem_size_0:
called_computation.2_lowered:
.L_overlay_start_0:
0x88: {  	s2 =	sld [smem:$0x3FD9]  }
0x89: {  	s3 =	sld [smem:$0x3FFE];
	_ =	sdelay $0x1  }
0x8a: {  	s1 =	srdreg.scid  }
0x8b: {  	s0 =	sand.u32 $0x1, s1  }
0x8c: {  	s17 =	sshll.u32 s0, $0xA;
	s2 =	sadd.s32 s3, s2  }
0x8d: {  	s2 =	sadd.s32 s2, s17  }
0x8e: {  	[smem:$0x3FC5] =	sst s2  }
0x8f: {  	_ = 	snop  }
0x90: {  	s2 =	sld [smem:$0x3FD0];
	(tm) =	ssettm $0x1  }
0x91: {  	s18 =	sld [smem:$0x3FFB];
	_ =	sdelay $0x3  }
0x92: {  	_ =	strace s18  }
0x93: {  	s3 =	sld [smem:$0x3FFC];
	_ =	sdelay $0x3  }
0x94: {  	_ =	strace s3  }
0x95: {  	s3 =	sld [smem:$0x3FFD];
	_ =	sdelay $0x3  }
0x96: {  	_ =	strace s3  }
0x97: {  	_ =	strace $0x8FFFFFFF  }
0x98: {  	s19 =	sld [smem:$0x3FDB];
	_ =	sdelay $0x1  }
0x99: {  	s4 =	simm.s32 $_scs_section_size  }
0x9a: {  	s5 =	simm.s32 $_size__tile_overlayer_lowered;
	s6 =	simm.s32 $_tile_overlayer_lowered  }
0x9b: {  	s22 =	simm.s32 $0x1BFF;
	s21 =	sshll.u32 s6, $0x1;
	s3 =	sadd.s32 s4, s19  }
0x9c: {  	s7 =	simm.s32 $0x0;
	s20 =	sshll.u32 s5, $0x1;
	s5 =	sadd.s32 s21, s3  }
0x9d: {  	[timem:s7], [sflag:s22] =	dma.local [hbm:s5], s20  }
0x9e: {  	_ =	swait.ge [sflag:s22], s20  }
0x9f: {  	s4 =	ssub.s32 $0x0, s20;
	[sflag:s22] =	ssyncset.done $0x0  }
0xa0: {  	[sflag:s22] =	ssyncadd.s32 s4;
	_ =	sdelay $0x1  }
0xa1: {  	s23 =	simm.s32 $0x1B8B  }
0xa2: {  	_ =	swait.ge [sflag:s23], $0x1  }
0xa3: {  	[sflag:s23] =	ssyncset.done $0x0  }
0xa4: {  	s25 =	simm.s32 $0x1B8E;
	s24 =	sld [smem:$0x3FFE];
	[sflag:s23] =	ssyncadd.s32 $0xFFFFFFFF  }
0xa5: {  	s26 =	simm.s32 $execute0_lowered;
	[smem:$0x3FD2] =	sst s25  }
0xa6: {  	s5 =	sshll.u32 s26, $0x1;
	_ =	strace $0x80000049;
	[dreg:$0x1] =	wrdreg $0xFFFFFFFF  }
0xa7: {  	s28 =	simm.s32 $_size_execute0_lowered;
	s3 =	sadd.s32 s3, s5;
	[dreg:$0x0] =	wrdreg $0x0  }
0xa8: {  	s5 =	sshll.u32 s28, $0x1;
	[dreg:$0x2] =	wrdreg s3  }
0xa9: {  	[dreg:$0x3] =	wrdreg s5  }
0xaa: {  	[dreg:$0x4] =	wrdreg $0xC0  }
0xab: {  	_ =	task [dreg:s7], $0x5FFFF  }
0xac: {  	[dreg:$0x1] =	wrdreg $0xFFFFFFFF  }
0xad: {  	[dreg:$0x0] =	wrdreg $0x60  }
0xae: {  	[dreg:$0x2] =	wrdreg s24  }
0xaf: {  	[dreg:$0x3] =	wrdreg s2  }
0xb0: {  	[dreg:$0x4] =	wrdreg $0x9  }
0xb1: {  	_ =	task.clear_ibuf [dreg:s7], $0x5FFFF;
	_ =	strace $0x90000049  }
0xb2: {  	s29 =	simm.s32 $0x9;
	_ =	strace $0x8000004B  }
0xb3: {  	_ =	swait.ge [sflag:s29], $0x1  }
0xb4: {  	[sflag:s29] =	ssyncadd.s32 $0xFFFFFFFF  }
0xb5: {  	_ =	strace $0x9000004B  }
0xb6: {  	_ =	sfence  }
0xb7: {  	s30 =	sld [smem:$0x0];
	_ =	sdelay $0x2  }
0xb8: {  	s31 =	sshll.u32 s1, $0xD;
	s1 =	sshrl.u32 s1, $0x2  }
0xb9: {  	s3 =	sand.u32 $0x4000, s31;
	s1 =	sadd.s32 s1, s30  }
0xba: {  	s0 =	sor.u32 s3, s0;
	s1 =	sshll.u32 s1, $0x11  }
0xbb: {  	s0 =	sor.u32 s1, s0  }
0xbc: {  	s0 =	sadd.s32 $0x8F2B, s0  }
0xbd: {  	[sflag:s0] =	ssyncadd.remote.s32 $0x1  }
0xbe: {  	_ =	sfence.sel $0xFFFF  }
0xbf: {  	[dreg:$0x0] =	wrdreg $0xFFFFFFFF;
	(pc) =	sbr.abs _section_cstart, $3  }
0xc0: {  	[dreg:$0x1] =	wrdreg $0xFFFFFFFF  }
0xc1: {  	_ =	task.clear_ibuf [dreg:s7], $0x2FFFF;
	_ =	strace $0x9FFFFFFF  }
0xc2: {  	(tm) =	ssettm $0x7FFFFFFF  }
0xc3: {  	_ =	shalt  }
tec
execute0_lowered:
.L_overlay_start_1:
0x0: {  	(tag) =	ssettag $0x1  }
0x1: {  	s0 =	srdreg.scid  }
0x2: {  	s2 =	stileid.u32;
	s1 =	rddreg [dreg:$0x0]  }
0x3: {  	s11 =	simm.s32 $0x9;
	s12 =	simm.s32 $0x64;
	s13 =	simm.s32 $0x9A00  }
0x4: {  	s15 =	simm.s32 $0xB300;
	s17 =	simm.s32 $0xCC00;
	s19 =	simm.s32 $0xE500  }
0x5: {  	s21 =	simm.s32 $0xFE00;
	s23 =	simm.s32 $0x11700;
	s28 =	simm.s32 $0x14900  }
0x6: {  	s29 =	simm.s32 $0x1;
	s30 =	simm.s32 $0x40;
	s31 =	simm.s32 $0x80  }
0x7: {  	s10 =	simm.s32 $0x4;
	s14 =	simm.s32 $0x5;
	s16 =	simm.s32 $0x6  }
0x8: {  	s18 =	simm.s32 $0x7;
	s20 =	simm.s32 $0x8;
	s0 =	sand.u32 $0x1, s0  }
0x9: {  	s22 =	simm.s32 $0x0;
	s3 =	sshll.u32 s2, $0x8;
	s4 =	sshll.u32 s0, $0x7  }
0xa: {  	s2 =	rddreg [dreg:$0x1];
	s0 =	ssub.s32 $0x2, s0;
	s3 =	sor.u32 s4, s3  }
0xb: {  	s8 =	sadd.s32 $0x8, s2;
	s4 =	simm.s32 $0x0;
	s5 =	smul.u32 $0x1A, s3  }
.Ltmp0:
0xc: {  	s25 =	sshrl.u32 s0, $0x1;
	[smem:$0x7FF] =	sst s4;
	(pc) =	sbr.rel .LBB2_1-.Ltmp0, $4  }
0xd: {  	s0 =	ssub.s32 s0, s25;
	s25 =	simm.s32 $0x13000;
	_ =	strace $0x8000004A  }
0xe: {  	s6 =	sadd.s32 s5, s1;
	s5 =	sadd.s32 $0xF5DC00, s1;
	s1 =	sadd.s32 $0xF5D400, s1  }
0xf: {  	s9 =	smax.u32 s0, $0x1;
	[dreg:$0x3] =	wrdreg s1;
	s26 =	sadd.s32 $0xF43400, s6  }
0x10: {  	s0 =	simm.s32 $0x3;
	s1 =	simm.s32 $0x2;
	[dreg:$0x4] =	wrdreg s26  }
.LBB2_12:
0x11: {  	_ =	swait.ge [sflag:s16], $0x1900  }
0x12: {  	[sflag:s16] =	ssyncset.done $0x0  }
0x13: {  	[sflag:s16] =	ssyncadd.s32 $0xFFFFE700  }
0x14: {  	_ =	swait.ge [sflag:s16], $0x1900  }
0x15: {  	[sflag:s16] =	ssyncset.done $0x0  }
0x16: {  	[sflag:s16] =	ssyncadd.s32 $0xFFFFE700  }
0x17: {  	_ =	swait.ge [sflag:s18], $0x1900  }
0x18: {  	[sflag:s18] =	ssyncset.done $0x0  }
0x19: {  	[sflag:s18] =	ssyncadd.s32 $0xFFFFE700  }
0x1a: {  	_ =	swait.ge [sflag:s18], $0x1900  }
0x1b: {  	[sflag:s18] =	ssyncset.done $0x0  }
0x1c: {  	s22 =	sadd.s32 $0x1, s22;
	[sflag:s18] =	ssyncadd.s32 $0xFFFFE700  }
0x1d: {  	p0 =	sne.s32 s22, s9;
	_ =	swait.ge [sflag:s20], $0x1900  }
.Ltmp1:
0x1e: {  	[sflag:s20] =	ssyncset.done $0x0;
	(pc) =	sbr.rel @!p0 .LBB2_13-.Ltmp1, $4  }
0x1f: {  	[sflag:s20] =	ssyncadd.s32 $0xFFFFE700  }
0x20: {  	_ =	swait.ge [sflag:s20], $0x1900  }
0x21: {  	[sflag:s20] =	ssyncset.done $0x0  }
0x22: {  	[sflag:s20] =	ssyncadd.s32 $0xFFFFE700  }
.LBB2_1:
0x23: {  	s6 =	rddreg [dreg:$0x3];
	s7 =	simm.s32 $0x6800  }
0x24: {  	[tilespmem:s7], [sflag:$0x9] =	stream.linear.gather [hbm4b:s6+s4], $0x3200, $0x38;
	[tilespmem:$0x16200] =	vst v63  }
0x25: {  	_ =	swait.ge [sflag:s11], $0x3200  }
0x26: {  	[sflag:s11] =	ssyncset.done $0x0  }
0x27: {  	s24 =	rddreg [dreg:$0x4];
	[sflag:s11] =	ssyncadd.s32 $0xFFFFCE00  }
0x28: {  	[tilespmem:s4], [sflag:$0x9] =	stream.linear.gather [hbm4b:s24+s4], $0x6800, $0x38;
	[tilespmem:$0x16200] =	vst v63  }
0x29: {  	_ =	swait.ge [sflag:s11], $0x6800  }
0x2a: {  	[sflag:s11] =	ssyncset.done $0x0  }
0x2b: {  	[sflag:s11] =	ssyncadd.s32 $0xFFFF9800  }
0x2c: {  	[tilespmem:s13], [sflag:$0x1] =	stream.indirect.gather [hbm4b:s5+s12], $0x40, s4, s12, $0xb8;
	[tilespmem:$0x16200] =	vst v63  }
0x2d: {  	s26 =	simm.s32 $0x68  }
0x2e: {  	[tilespmem:s15], [sflag:$0x1] =	stream.indirect.gather [hbm4b:s5+s12], $0x40, s26, s12, $0xb8;
	[tilespmem:$0x16200] =	vst v63  }
0x2f: {  	s7 =	simm.s32 $0xD0  }
0x30: {  	[tilespmem:s17], [sflag:$0x2] =	stream.indirect.gather [hbm4b:s5+s12], $0x40, s7, s12, $0xb8;
	[tilespmem:$0x16200] =	vst v63  }
0x31: {  	s24 =	simm.s32 $0x138  }
0x32: {  	[tilespmem:s19], [sflag:$0x2] =	stream.indirect.gather [hbm4b:s5+s12], $0x40, s24, s12, $0xb8;
	[tilespmem:$0x16200] =	vst v63  }
0x33: {  	s26 =	simm.s32 $0x1A0  }
0x34: {  	[tilespmem:s21], [sflag:$0x3] =	stream.indirect.gather [hbm4b:s5+s12], $0x40, s26, s12, $0xb8;
	[tilespmem:$0x16200] =	vst v63  }
0x35: {  	s7 =	simm.s32 $0x208  }
0x36: {  	[tilespmem:s23], [sflag:$0x3] =	stream.indirect.gather [hbm4b:s5+s12], $0x40, s7, s12, $0xb8;
	[tilespmem:$0x16200] =	vst v63  }
0x37: {  	s24 =	simm.s32 $0x270  }
0x38: {  	[tilespmem:s25], [sflag:$0x4] =	stream.indirect.gather [hbm4b:s5+s12], $0x40, s24, s12, $0xb8;
	[tilespmem:$0x16200] =	vst v63  }
0x39: {  	s26 =	simm.s32 $0x2D8;
	s24 =	simm.s32 $0x0  }
0x3a: {  	[tilespmem:s28], [sflag:$0x4] =	stream.indirect.gather [hbm4b:s5+s12], $0x40, s26, s12, $0xb8;
	[tilespmem:$0x16200] =	vst v63  }
.LBB2_2:
0x3b: {  	_ =	swait.ge [sflag:s29], $0x1900  }
0x3c: {  	[sflag:s29] =	ssyncset.done $0x0  }
0x3d: {  	[sflag:s29] =	ssyncadd.s32 $0xFFFFE700  }
0x3e: {  	_ =	swait.ge [sflag:s29], $0x1900  }
0x3f: {  	[sflag:s29] =	ssyncset.done $0x0  }
0x40: {  	s6 =	simm.s32 $0x0;
	s26 =	simm.s32 $0x100;
	[sflag:s29] =	ssyncadd.s32 $0xFFFFE700  }
.LBB2_3:
0x41: {  	p0 =	sne.s32 s26, $0x6300;
	v0 =	vld [tilespmem:s6+$0x8130]  }
0x42: {  	v1 =	vld [tilespmem:s6+$0x6800]  }
0x43: {  	v2 =	vld [tilespmem:s6+$0x6810]  }
0x44: {  	v3 =	vld [tilespmem:s6+$0x6820]  }
0x45: {  	v4 =	vld [tilespmem:s6+$0x6830]  }
0x46: {  	[tilespmem:s6+$0xB330] =	vst.add.f32.msk $0xffff, v0  }
0x47: {  	v0 =	vld [tilespmem:s6+$0x8100]  }
0x48: {  	v5 =	vld [tilespmem:s6+$0x8110]  }
0x49: {  	v6 =	vld [tilespmem:s6+$0x8120]  }
0x4a: {  	[tilespmem:s6+$0x9A00] =	vst.add.f32.msk $0xffff, v1  }
0x4b: {  	[tilespmem:s6+$0x9A10] =	vst.add.f32.msk $0xffff, v2  }
.Ltmp2:
0x4c: {  	[tilespmem:s6+$0x9A20] =	vst.add.f32.msk $0xffff, v3;
	(pc) =	sbr.rel @p0 .LBB2_3-.Ltmp2, $4  }
0x4d: {  	[tilespmem:s6+$0x9A30] =	vst.add.f32.msk $0xffff, v4  }
0x4e: {  	[tilespmem:s6+$0xB300] =	vst.add.f32.msk $0xffff, v0  }
0x4f: {  	[tilespmem:s6+$0xB310] =	vst.add.f32.msk $0xffff, v5  }
0x50: {  	[tilespmem:s6+$0xB320] =	vst.add.f32.msk $0xffff, v6;
	s6 =	sshra.s32 s26, $0x2;
	s26 =	sadd.s32 $0x100, s26  }
0x51: {  	v0 =	vld [tilespmem:s6+$0x8130]  }
0x52: {  	v1 =	vld [tilespmem:s6+$0x6800]  }
0x53: {  	v2 =	vld [tilespmem:s6+$0x6810]  }
0x54: {  	v3 =	vld [tilespmem:s6+$0x6820]  }
0x55: {  	v4 =	vld [tilespmem:s6+$0x6830]  }
0x56: {  	v63 =	vld [tilespmem:s6+$0x8100]  }
0x57: {  	v5 =	vld [tilespmem:s6+$0x8110]  }
0x58: {  	v6 =	vld [tilespmem:s6+$0x8120]  }
0x59: {  	[tilespmem:s6+$0xB330] =	vst.add.f32.msk $0xffff, v0  }
0x5a: {  	[tilespmem:s6+$0x9A00] =	vst.add.f32.msk $0xffff, v1  }
0x5b: {  	[tilespmem:s6+$0x9A10] =	vst.add.f32.msk $0xffff, v2  }
0x5c: {  	s7 =	sshll.u32 s24, $0x2;
	[tilespmem:s6+$0x9A20] =	vst.add.f32.msk $0xffff, v3  }
0x5d: {  	s7 =	sor.u32 s3, s7;
	[tilespmem:s6+$0x9A30] =	vst.add.f32.msk $0xffff, v4  }
0x5e: {  	s26 =	smul.u32 $0x640, s7;
	[tilespmem:s6+$0xB300] =	vst.add.f32.msk $0xffff, v63  }
0x5f: {  	[tilespmem:s6+$0xB310] =	vst.add.f32.msk $0xffff, v5  }
0x60: {  	s7 =	sadd.s32 s2, s26;
	[tilespmem:s6+$0xB320] =	vst.add.f32.msk $0xffff, v6  }
0x61: {  	[hbm4b:s7+s30] =	stream.strided.scatter [tilespmem:s13], [sflag:$0x5], $0x1900, s31, s30, $0x38;
	[tilespmem:$0x16200] =	vst v63  }
0x62: {  	s7 =	sadd.s32 s26, s8  }
0x63: {  	[hbm4b:s7+s30] =	stream.strided.scatter [tilespmem:s15], [sflag:$0x5], $0x1900, s31, s30, $0x38;
	[tilespmem:$0x16200] =	vst v63  }
0x64: {  	_ =	swait.ge [sflag:s1], $0x1900  }
0x65: {  	[sflag:s1] =	ssyncset.done $0x0  }
0x66: {  	[sflag:s1] =	ssyncadd.s32 $0xFFFFE700  }
0x67: {  	_ =	swait.ge [sflag:s1], $0x1900  }
0x68: {  	[sflag:s1] =	ssyncset.done $0x0  }
0x69: {  	s6 =	simm.s32 $0x0;
	s7 =	simm.s32 $0x100;
	[sflag:s1] =	ssyncadd.s32 $0xFFFFE700  }
.LBB2_5:
0x6a: {  	p0 =	sne.s32 s7, $0x6300;
	v0 =	vld [tilespmem:s6+$0x8130]  }
0x6b: {  	v1 =	vld [tilespmem:s6+$0x6800]  }
0x6c: {  	v2 =	vld [tilespmem:s6+$0x6810]  }
0x6d: {  	v3 =	vld [tilespmem:s6+$0x6820]  }
0x6e: {  	v4 =	vld [tilespmem:s6+$0x6830]  }
0x6f: {  	[tilespmem:s6+$0xE530] =	vst.add.f32.msk $0xffff, v0  }
0x70: {  	v0 =	vld [tilespmem:s6+$0x8100]  }
0x71: {  	v5 =	vld [tilespmem:s6+$0x8110]  }
0x72: {  	v6 =	vld [tilespmem:s6+$0x8120]  }
0x73: {  	[tilespmem:s6+$0xCC00] =	vst.add.f32.msk $0xffff, v1  }
0x74: {  	[tilespmem:s6+$0xCC10] =	vst.add.f32.msk $0xffff, v2  }
.Ltmp3:
0x75: {  	[tilespmem:s6+$0xCC20] =	vst.add.f32.msk $0xffff, v3;
	(pc) =	sbr.rel @p0 .LBB2_5-.Ltmp3, $4  }
0x76: {  	[tilespmem:s6+$0xCC30] =	vst.add.f32.msk $0xffff, v4  }
0x77: {  	[tilespmem:s6+$0xE500] =	vst.add.f32.msk $0xffff, v0  }
0x78: {  	[tilespmem:s6+$0xE510] =	vst.add.f32.msk $0xffff, v5  }
0x79: {  	[tilespmem:s6+$0xE520] =	vst.add.f32.msk $0xffff, v6;
	s6 =	sshra.s32 s7, $0x2;
	s7 =	sadd.s32 $0x100, s7  }
0x7a: {  	v0 =	vld [tilespmem:s6+$0x8130]  }
0x7b: {  	v1 =	vld [tilespmem:s6+$0x6800]  }
0x7c: {  	v2 =	vld [tilespmem:s6+$0x6810]  }
0x7d: {  	v3 =	vld [tilespmem:s6+$0x6820]  }
0x7e: {  	v4 =	vld [tilespmem:s6+$0x6830]  }
0x7f: {  	v63 =	vld [tilespmem:s6+$0x8100]  }
0x80: {  	v5 =	vld [tilespmem:s6+$0x8110]  }
0x81: {  	v6 =	vld [tilespmem:s6+$0x8120]  }
0x82: {  	[tilespmem:s6+$0xE530] =	vst.add.f32.msk $0xffff, v0  }
0x83: {  	[tilespmem:s6+$0xCC00] =	vst.add.f32.msk $0xffff, v1  }
0x84: {  	[tilespmem:s6+$0xCC10] =	vst.add.f32.msk $0xffff, v2  }
0x85: {  	[tilespmem:s6+$0xCC20] =	vst.add.f32.msk $0xffff, v3  }
0x86: {  	[tilespmem:s6+$0xCC30] =	vst.add.f32.msk $0xffff, v4  }
0x87: {  	[tilespmem:s6+$0xE500] =	vst.add.f32.msk $0xffff, v63  }
0x88: {  	s7 =	sadd.s32 $0x640, s26;
	[tilespmem:s6+$0xE510] =	vst.add.f32.msk $0xffff, v5  }
0x89: {  	[tilespmem:s6+$0xE520] =	vst.add.f32.msk $0xffff, v6;
	s6 =	sadd.s32 s2, s7  }
0x8a: {  	[hbm4b:s6+s30] =	stream.strided.scatter [tilespmem:s17], [sflag:$0x6], $0x1900, s31, s30, $0x38;
	[tilespmem:$0x16200] =	vst v63  }
0x8b: {  	s7 =	sadd.s32 s7, s8  }
0x8c: {  	[hbm4b:s7+s30] =	stream.strided.scatter [tilespmem:s19], [sflag:$0x6], $0x1900, s31, s30, $0x38;
	[tilespmem:$0x16200] =	vst v63  }
0x8d: {  	_ =	swait.ge [sflag:s0], $0x1900  }
0x8e: {  	[sflag:s0] =	ssyncset.done $0x0  }
0x8f: {  	[sflag:s0] =	ssyncadd.s32 $0xFFFFE700  }
0x90: {  	_ =	swait.ge [sflag:s0], $0x1900  }
0x91: {  	[sflag:s0] =	ssyncset.done $0x0  }
0x92: {  	s6 =	simm.s32 $0x0;
	s7 =	simm.s32 $0x100;
	[sflag:s0] =	ssyncadd.s32 $0xFFFFE700  }
.LBB2_7:
0x93: {  	p0 =	sne.s32 s7, $0x6300;
	v0 =	vld [tilespmem:s6+$0x8130]  }
0x94: {  	v1 =	vld [tilespmem:s6+$0x6800]  }
0x95: {  	v2 =	vld [tilespmem:s6+$0x6810]  }
0x96: {  	v3 =	vld [tilespmem:s6+$0x6820]  }
0x97: {  	v4 =	vld [tilespmem:s6+$0x6830]  }
0x98: {  	[tilespmem:s6+$0x11730] =	vst.add.f32.msk $0xffff, v0  }
0x99: {  	v0 =	vld [tilespmem:s6+$0x8100]  }
0x9a: {  	v5 =	vld [tilespmem:s6+$0x8110]  }
0x9b: {  	v6 =	vld [tilespmem:s6+$0x8120]  }
0x9c: {  	[tilespmem:s6+$0xFE00] =	vst.add.f32.msk $0xffff, v1  }
0x9d: {  	[tilespmem:s6+$0xFE10] =	vst.add.f32.msk $0xffff, v2  }
.Ltmp4:
0x9e: {  	[tilespmem:s6+$0xFE20] =	vst.add.f32.msk $0xffff, v3;
	(pc) =	sbr.rel @p0 .LBB2_7-.Ltmp4, $4  }
0x9f: {  	[tilespmem:s6+$0xFE30] =	vst.add.f32.msk $0xffff, v4  }
0xa0: {  	[tilespmem:s6+$0x11700] =	vst.add.f32.msk $0xffff, v0  }
0xa1: {  	[tilespmem:s6+$0x11710] =	vst.add.f32.msk $0xffff, v5  }
0xa2: {  	[tilespmem:s6+$0x11720] =	vst.add.f32.msk $0xffff, v6;
	s6 =	sshra.s32 s7, $0x2;
	s7 =	sadd.s32 $0x100, s7  }
0xa3: {  	v0 =	vld [tilespmem:s6+$0x8130]  }
0xa4: {  	v1 =	vld [tilespmem:s6+$0x6800]  }
0xa5: {  	v2 =	vld [tilespmem:s6+$0x6810]  }
0xa6: {  	v3 =	vld [tilespmem:s6+$0x6820]  }
0xa7: {  	v4 =	vld [tilespmem:s6+$0x6830]  }
0xa8: {  	v63 =	vld [tilespmem:s6+$0x8100]  }
0xa9: {  	v5 =	vld [tilespmem:s6+$0x8110]  }
0xaa: {  	v6 =	vld [tilespmem:s6+$0x8120]  }
0xab: {  	[tilespmem:s6+$0x11730] =	vst.add.f32.msk $0xffff, v0  }
0xac: {  	[tilespmem:s6+$0xFE00] =	vst.add.f32.msk $0xffff, v1  }
0xad: {  	[tilespmem:s6+$0xFE10] =	vst.add.f32.msk $0xffff, v2  }
0xae: {  	[tilespmem:s6+$0xFE20] =	vst.add.f32.msk $0xffff, v3  }
0xaf: {  	[tilespmem:s6+$0xFE30] =	vst.add.f32.msk $0xffff, v4  }
0xb0: {  	[tilespmem:s6+$0x11700] =	vst.add.f32.msk $0xffff, v63  }
0xb1: {  	s7 =	sadd.s32 $0xC80, s26;
	[tilespmem:s6+$0x11710] =	vst.add.f32.msk $0xffff, v5  }
0xb2: {  	[tilespmem:s6+$0x11720] =	vst.add.f32.msk $0xffff, v6;
	s6 =	sadd.s32 s2, s7  }
0xb3: {  	[hbm4b:s6+s30] =	stream.strided.scatter [tilespmem:s21], [sflag:$0x7], $0x1900, s31, s30, $0x38;
	[tilespmem:$0x16200] =	vst v63  }
0xb4: {  	s7 =	sadd.s32 s7, s8  }
0xb5: {  	[hbm4b:s7+s30] =	stream.strided.scatter [tilespmem:s23], [sflag:$0x7], $0x1900, s31, s30, $0x38;
	[tilespmem:$0x16200] =	vst v63  }
0xb6: {  	_ =	swait.ge [sflag:s10], $0x1900  }
0xb7: {  	[sflag:s10] =	ssyncset.done $0x0  }
0xb8: {  	[sflag:s10] =	ssyncadd.s32 $0xFFFFE700  }
0xb9: {  	_ =	swait.ge [sflag:s10], $0x1900  }
0xba: {  	[sflag:s10] =	ssyncset.done $0x0  }
0xbb: {  	s6 =	simm.s32 $0x0;
	s7 =	simm.s32 $0x100;
	[sflag:s10] =	ssyncadd.s32 $0xFFFFE700  }
.LBB2_9:
0xbc: {  	p0 =	sne.s32 s7, $0x6300;
	v0 =	vld [tilespmem:s6+$0x8130]  }
0xbd: {  	v1 =	vld [tilespmem:s6+$0x6800]  }
0xbe: {  	v2 =	vld [tilespmem:s6+$0x6810]  }
0xbf: {  	v3 =	vld [tilespmem:s6+$0x6820]  }
0xc0: {  	v4 =	vld [tilespmem:s6+$0x6830]  }
0xc1: {  	[tilespmem:s6+$0x14930] =	vst.add.f32.msk $0xffff, v0  }
0xc2: {  	v0 =	vld [tilespmem:s6+$0x8100]  }
0xc3: {  	v5 =	vld [tilespmem:s6+$0x8110]  }
0xc4: {  	v6 =	vld [tilespmem:s6+$0x8120]  }
0xc5: {  	[tilespmem:s6+$0x13000] =	vst.add.f32.msk $0xffff, v1  }
0xc6: {  	[tilespmem:s6+$0x13010] =	vst.add.f32.msk $0xffff, v2  }
.Ltmp5:
0xc7: {  	[tilespmem:s6+$0x13020] =	vst.add.f32.msk $0xffff, v3;
	(pc) =	sbr.rel @p0 .LBB2_9-.Ltmp5, $4  }
0xc8: {  	[tilespmem:s6+$0x13030] =	vst.add.f32.msk $0xffff, v4  }
0xc9: {  	[tilespmem:s6+$0x14900] =	vst.add.f32.msk $0xffff, v0  }
0xca: {  	[tilespmem:s6+$0x14910] =	vst.add.f32.msk $0xffff, v5  }
0xcb: {  	[tilespmem:s6+$0x14920] =	vst.add.f32.msk $0xffff, v6;
	s6 =	sshra.s32 s7, $0x2;
	s7 =	sadd.s32 $0x100, s7  }
0xcc: {  	v0 =	vld [tilespmem:s6+$0x8130]  }
0xcd: {  	v1 =	vld [tilespmem:s6+$0x6800]  }
0xce: {  	v2 =	vld [tilespmem:s6+$0x6810]  }
0xcf: {  	v3 =	vld [tilespmem:s6+$0x6820]  }
0xd0: {  	v4 =	vld [tilespmem:s6+$0x6830]  }
0xd1: {  	v63 =	vld [tilespmem:s6+$0x8100]  }
0xd2: {  	v5 =	vld [tilespmem:s6+$0x8110]  }
0xd3: {  	v6 =	vld [tilespmem:s6+$0x8120]  }
0xd4: {  	[tilespmem:s6+$0x14930] =	vst.add.f32.msk $0xffff, v0  }
0xd5: {  	[tilespmem:s6+$0x13000] =	vst.add.f32.msk $0xffff, v1  }
0xd6: {  	[tilespmem:s6+$0x13010] =	vst.add.f32.msk $0xffff, v2  }
0xd7: {  	[tilespmem:s6+$0x13020] =	vst.add.f32.msk $0xffff, v3  }
0xd8: {  	[tilespmem:s6+$0x13030] =	vst.add.f32.msk $0xffff, v4  }
0xd9: {  	[tilespmem:s6+$0x14900] =	vst.add.f32.msk $0xffff, v63  }
0xda: {  	s7 =	sadd.s32 $0x12C0, s26;
	[tilespmem:s6+$0x14910] =	vst.add.f32.msk $0xffff, v5  }
0xdb: {  	s26 =	sadd.s32 s2, s7;
	[tilespmem:s6+$0x14920] =	vst.add.f32.msk $0xffff, v6  }
0xdc: {  	[hbm4b:s26+s30] =	stream.strided.scatter [tilespmem:s25], [sflag:$0x8], $0x1900, s31, s30, $0x38;
	[tilespmem:$0x16200] =	vst v63  }
0xdd: {  	s26 =	sadd.s32 s7, s8  }
0xde: {  	[hbm4b:s26+s30] =	stream.strided.scatter [tilespmem:s28], [sflag:$0x8], $0x1900, s31, s30, $0x38;
	[tilespmem:$0x16200] =	vst v63  }
0xdf: {  	p0 =	seq.s32 s24, $0x1F;
	_ =	swait.ge [sflag:s14], $0x1900  }
.Ltmp6:
0xe0: {  	[sflag:s14] =	ssyncset.done $0x0;
	(pc) =	sbr.rel @p0 .LBB2_12-.Ltmp6, $4  }
0xe1: {  	[sflag:s14] =	ssyncadd.s32 $0xFFFFE700  }
0xe2: {  	_ =	swait.ge [sflag:s14], $0x1900  }
0xe3: {  	[sflag:s14] =	ssyncset.done $0x0  }
0xe4: {  	[sflag:s14] =	ssyncadd.s32 $0xFFFFE700  }
0xe5: {  	s6 =	smul.u32 $0xD00, s24;
	_ =	sdelay $0x1  }
0xe6: {  	s6 =	sshra.s32 s6, $0x2  }
0xe7: {  	s7 =	sadd.s32 $0x340, s6  }
0xe8: {  	[tilespmem:s13], [sflag:$0x1] =	stream.indirect.gather [hbm4b:s5+s12], $0x40, s7, s12, $0xb8;
	[tilespmem:$0x16200] =	vst v63  }
0xe9: {  	s26 =	sadd.s32 $0x3A8, s6  }
0xea: {  	[tilespmem:s15], [sflag:$0x1] =	stream.indirect.gather [hbm4b:s5+s12], $0x40, s26, s12, $0xb8;
	[tilespmem:$0x16200] =	vst v63  }
0xeb: {  	_ =	swait.ge [sflag:s16], $0x1900  }
0xec: {  	[sflag:s16] =	ssyncset.done $0x0  }
0xed: {  	[sflag:s16] =	ssyncadd.s32 $0xFFFFE700  }
0xee: {  	_ =	swait.ge [sflag:s16], $0x1900  }
0xef: {  	[sflag:s16] =	ssyncset.done $0x0  }
0xf0: {  	s26 =	sadd.s32 $0x410, s6;
	[sflag:s16] =	ssyncadd.s32 $0xFFFFE700  }
0xf1: {  	[tilespmem:s17], [sflag:$0x2] =	stream.indirect.gather [hbm4b:s5+s12], $0x40, s26, s12, $0xb8;
	[tilespmem:$0x16200] =	vst v63  }
0xf2: {  	s26 =	sadd.s32 $0x478, s6  }
0xf3: {  	[tilespmem:s19], [sflag:$0x2] =	stream.indirect.gather [hbm4b:s5+s12], $0x40, s26, s12, $0xb8;
	[tilespmem:$0x16200] =	vst v63  }
0xf4: {  	_ =	swait.ge [sflag:s18], $0x1900  }
0xf5: {  	[sflag:s18] =	ssyncset.done $0x0  }
0xf6: {  	[sflag:s18] =	ssyncadd.s32 $0xFFFFE700  }
0xf7: {  	_ =	swait.ge [sflag:s18], $0x1900  }
0xf8: {  	[sflag:s18] =	ssyncset.done $0x0  }
0xf9: {  	s26 =	sadd.s32 $0x4E0, s6;
	[sflag:s18] =	ssyncadd.s32 $0xFFFFE700  }
0xfa: {  	[tilespmem:s21], [sflag:$0x3] =	stream.indirect.gather [hbm4b:s5+s12], $0x40, s26, s12, $0xb8;
	[tilespmem:$0x16200] =	vst v63  }
0xfb: {  	s26 =	sadd.s32 $0x548, s6  }
0xfc: {  	[tilespmem:s23], [sflag:$0x3] =	stream.indirect.gather [hbm4b:s5+s12], $0x40, s26, s12, $0xb8;
	[tilespmem:$0x16200] =	vst v63  }
0xfd: {  	_ =	swait.ge [sflag:s20], $0x1900  }
0xfe: {  	[sflag:s20] =	ssyncset.done $0x0  }
0xff: {  	[sflag:s20] =	ssyncadd.s32 $0xFFFFE700  }
0x100: {  	_ =	swait.ge [sflag:s20], $0x1900  }
.Ltmp7:
0x101: {  	[sflag:s20] =	ssyncset.done $0x0;
	(pc) =	sbr.rel .LBB2_2-.Ltmp7, $4  }
0x102: {  	s26 =	sadd.s32 $0x5B0, s6;
	[sflag:s20] =	ssyncadd.s32 $0xFFFFE700  }
0x103: {  	[tilespmem:s25], [sflag:$0x4] =	stream.indirect.gather [hbm4b:s5+s12], $0x40, s26, s12, $0xb8;
	[tilespmem:$0x16200] =	vst v63  }
0x104: {  	s24 =	sadd.s32 $0x1, s24;
	s6 =	sadd.s32 $0x618, s6  }
0x105: {  	[tilespmem:s28], [sflag:$0x4] =	stream.indirect.gather [hbm4b:s5+s12], $0x40, s6, s12, $0xb8;
	[tilespmem:$0x16200] =	vst v63  }
.LBB2_13:
0x106: {  	_ =	sfence.sel $0x180000  }
0x107: {  	[bflag:$0x0] =	sbarrier.arrive $0xFFFF  }
0x108: {  	_ =	strace $0x9000004A  }
0x109: {  	s0 =	stileid.u32;
	[bflag:$0x2] =	sbarrier.arrive $0xFFFF  }
0x10a: {  	p0 =	sne.s32 s0, $0x0;
	s0 =	rddreg [dreg:$0x2]  }
0x10b: {  	s0 =	sadd.s32 @!p0 $0x100000, s0  }
0x10c: {  	[sflag:s0] =	ssyncadd.tile.s32 @!p0 $0x1;
	_ =	shalt  }
.Lfunc_end2:
_tile_overlayer_lowered:
.L_overlay_start_2:
0x10d: {  	(tag) =	ssettag $0x2  }
0x10e: {  	s0 =	rddreg [dreg:$0x0];
	s2 =	stileid.u32  }
0x10f: {  	s1 =	rddreg [dreg:$0x1];
	p0 =	sne.s32 s2, $0x0  }
0x110: {  	s3 =	rddreg [dreg:$0x2];
	[bflag:$0x3] =	sbarrier.arrive $0xFFFF;
	s2 =	simm.s32 @!p0 $0x1C09  }
0x111: {  	[timem:s3], [sflag:s2] =	dma.local @!p0 [hbm:s0], s1  }
0x112: {  	s0 =	simm.s32 @!p0 $0x9  }
0x113: {  	_ =	swait.ge @!p0 [sflag:s0], s1  }
0x114: {  	s1 =	ssub.s32 @!p0 $0x0, s1;
	[sflag:s0] =	ssyncset.done @!p0 $0x0  }
0x115: {  	[sflag:s0] =	ssyncadd.s32 @!p0 s1  }
0x116: {  	[bflag:$0x3] =	sbarrier.arrive $0xFFFF  }
0x117: {  	_ =	shalt  }

// kernel: sparse-core-data-format-call.1.cloned.1.call-start
scs
called_computation.1_lowered:
.L_overlay_start_0:
0x0: {  	s2 =	sld [smem:$0x3FD9]  }
0x1: {  	s3 =	sld [smem:$0x3FFE];
	_ =	sdelay $0x1  }
0x2: {  	s1 =	srdreg.scid  }
0x3: {  	s0 =	sand.u32 $0x1, s1  }
0x4: {  	s18 =	sshll.u32 s0, $0xA;
	s2 =	sadd.s32 s3, s2  }
0x5: {  	s2 =	sadd.s32 s2, s18  }
0x6: {  	[smem:$0x3FC5] =	sst s2  }
0x7: {  	_ = 	snop  }
0x8: {  	s2 =	sld [smem:$0x3FC8];
	(tm) =	ssettm $0x1  }
0x9: {  	s19 =	sld [smem:$0x3FFB];
	_ =	sdelay $0x3  }
0xa: {  	_ =	strace s19  }
0xb: {  	s3 =	sld [smem:$0x3FFC];
	_ =	sdelay $0x3  }
0xc: {  	_ =	strace s3  }
0xd: {  	s3 =	sld [smem:$0x3FFD];
	_ =	sdelay $0x3  }
0xe: {  	_ =	strace s3  }
0xf: {  	_ =	strace $0x8FFFFFFF  }
0x10: {  	s20 =	sld [smem:$0x3FDB];
	_ =	sdelay $0x1  }
0x11: {  	s4 =	simm.s32 $_scs_section_size  }
0x12: {  	s5 =	simm.s32 $_size__tile_overlayer_lowered;
	s6 =	simm.s32 $_tile_overlayer_lowered  }
0x13: {  	s23 =	simm.s32 $0x1BFF;
	s22 =	sshll.u32 s6, $0x1;
	s3 =	sadd.s32 s4, s20  }
0x14: {  	s7 =	simm.s32 $0x0;
	s21 =	sshll.u32 s5, $0x1;
	s5 =	sadd.s32 s22, s3  }
0x15: {  	[timem:s7], [sflag:s23] =	dma.local [hbm:s5], s21  }
0x16: {  	_ =	swait.ge [sflag:s23], s21  }
0x17: {  	s4 =	ssub.s32 $0x0, s21;
	[sflag:s23] =	ssyncset.done $0x0  }
0x18: {  	[sflag:s23] =	ssyncadd.s32 s4;
	_ =	sdelay $0x1  }
0x19: {  	s24 =	simm.s32 $0x1B8B  }
0x1a: {  	_ =	swait.ge [sflag:s24], $0x1  }
0x1b: {  	[sflag:s24] =	ssyncset.done $0x0  }
0x1c: {  	s26 =	simm.s32 $0x1B8E;
	s25 =	sld [smem:$0x3FFE];
	[sflag:s24] =	ssyncadd.s32 $0xFFFFFFFF  }
0x1d: {  	s27 =	simm.s32 $execute0_lowered;
	[smem:$0x3FD2] =	sst s26  }
0x1e: {  	s5 =	sshll.u32 s27, $0x1;
	_ =	strace $0x80000046;
	[dreg:$0x1] =	wrdreg $0xFFFFFFFF  }
0x1f: {  	s28 =	simm.s32 $_size_execute0_lowered;
	s3 =	sadd.s32 s3, s5;
	[dreg:$0x0] =	wrdreg $0x0  }
0x20: {  	s5 =	sshll.u32 s28, $0x1;
	[dreg:$0x2] =	wrdreg s3  }
0x21: {  	[dreg:$0x3] =	wrdreg s5  }
0x22: {  	[dreg:$0x4] =	wrdreg $0xC0  }
0x23: {  	_ =	task [dreg:s7], $0x5FFFF  }
0x24: {  	[dreg:$0x1] =	wrdreg $0xFFFFFFFF  }
0x25: {  	[dreg:$0x0] =	wrdreg $0x60  }
0x26: {  	[dreg:$0x2] =	wrdreg s2  }
0x27: {  	[dreg:$0x3] =	wrdreg s25  }
0x28: {  	[dreg:$0x4] =	wrdreg $0x9  }
0x29: {  	_ =	task.clear_ibuf [dreg:s7], $0x5FFFF;
	_ =	strace $0x90000046  }
0x2a: {  	s29 =	simm.s32 $0x9;
	_ =	strace $0x80000048  }
0x2b: {  	_ =	swait.ge [sflag:s29], $0x1  }
0x2c: {  	[sflag:s29] =	ssyncadd.s32 $0xFFFFFFFF  }
0x2d: {  	_ =	strace $0x90000048  }
0x2e: {  	_ =	sfence  }
0x2f: {  	s30 =	sld [smem:$0x0];
	_ =	sdelay $0x2  }
0x30: {  	s31 =	sshll.u32 s1, $0xD;
	s1 =	sshrl.u32 s1, $0x2  }
0x31: {  	s3 =	sand.u32 $0x4000, s31;
	s1 =	sadd.s32 s1, s30  }
0x32: {  	s0 =	sor.u32 s3, s0;
	s1 =	sshll.u32 s1, $0x11  }
0x33: {  	s0 =	sor.u32 s1, s0  }
0x34: {  	s0 =	sadd.s32 $0x8F2B, s0  }
0x35: {  	[sflag:s0] =	ssyncadd.remote.s32 $0x1  }
0x36: {  	_ =	sfence.sel $0xFFFF  }
0x37: {  	[dreg:$0x0] =	wrdreg $0xFFFFFFFF;
	(pc) =	sbr.abs _section_cstart, $3  }
0x38: {  	[dreg:$0x1] =	wrdreg $0xFFFFFFFF  }
0x39: {  	_ =	task.clear_ibuf [dreg:s7], $0x2FFFF;
	_ =	strace $0x9FFFFFFF  }
0x3a: {  	(tm) =	ssettm $0x7FFFFFFF  }
0x3b: {  	_ =	shalt  }
tec
execute0_lowered:
.L_overlay_start_1:
0x0: {  	(tag) =	ssettag $0x1  }
0x1: {  	s0 =	srdreg.scid;
	s2 =	rddreg [dreg:$0x0]  }
0x2: {  	s5 =	rddreg [dreg:$0x1];
	s1 =	stileid.u32  }
0x3: {  	s4 =	simm.s32 $0x1;
	s6 =	simm.s32 $0x2;
	s15 =	simm.s32 $0x0  }
0x4: {  	p0 =	por $0x0, $0x0;
	s8 =	simm.s32 $0x80;
	s0 =	sshll.u32 s0, $0x4  }
0x5: {  	s14 =	simm.s32 $0x0;
	s9 =	simm.s32 $0x0;
	s3 =	sand.u32 $0x10, s0  }
.Ltmp0:
0x6: {  	s10 =	simm.s32 $0x0;
	s3 =	sor.u32 s1, s3;
	(pc) =	sbr.rel .LBB1_1-.Ltmp0, $4  }
0x7: {  	s0 =	rddreg [dreg:$0x2];
	_ =	strace $0x80000047;
	s3 =	sshll.u32 s3, $0x7  }
0x8: {  	s12 =	simm.s32 $0x0;
	[sflag:s4] =	ssyncpa.u1 $0x0;
	s7 =	ssub.s32 $0xF4200, s3  }
0x9: {  	s13 =	simm.s32 $0x0;
	[sflag:s6] =	ssyncpa.u1 $0x0;
	s6 =	sshrl.u32 s7, $0xC  }
0xa: {  	s5 =	sadd.s32 $0x1000, s5;
	s11 =	smov.u32 s3;
	s7 =	sadd.s32 $0x2, s6  }
.LBB1_5:
0xb: {  	p1 =	slt.u32 s13, $0x2  }
0xc: {  	s17 =	smov.u32 s15;
	p2 =	sgt.s32 @!p1 s15, $0xF41C0;
	s16 =	sshra.s32 @!p1 s15, $0x1F  }
0xd: {  	p3 =	sgt.s32 @!p1 s14, $0x40;
	s18 =	sshra.s32 @!p1 s14, $0x1F;
	p2 =	por !p2, p1  }
0xe: {  	s15 =	sand.u32 @!p1 s16, s15;
	p3 =	por !p3, p1;
	s16 =	smov.u32 s14  }
0xf: {  	s14 =	sand.u32 @!p1 s18, s14;
	s17 =	simm.s32 @p2 $0xF41C0;
	s16 =	simm.s32 @p3 $0x40  }
0x10: {  	s15 =	ssub.s32 @!p1 s17, s15;
	s14 =	ssub.s32 @!p1 s16, s14  }
0x11: {  	s18 =	smov.u32 s12;
	s16 =	sadd.s32 @!p1 $0xFFF0BE40, s15;
	s17 =	sadd.s32 @!p1 $0xFFFFFFC0, s14  }
0x12: {  	s15 =	ssub.s32 @!p1 $0xF4240, s15;
	p2 =	sgt.s32 @!p1 s16, $0x7F;
	p3 =	sgt.s32 @!p1 s17, $0x3F  }
0x13: {  	s14 =	ssub.s32 @!p1 $0x80, s14;
	p2 =	por !p2, p1;
	p3 =	por !p3, p1  }
0x14: {  	s16 =	sadd.s32 $0x1000, s11;
	s15 =	simm.s32 @!p2 $0x0;
	s14 =	simm.s32 @!p3 $0x0  }
0x15: {  	p2 =	sgt.s32 s16, $0xF423F;
	s14 =	smul.u32 @!p1 s14, s15;
	s15 =	sadd.s32 $0x40, s12  }
0x16: {  	s18 =	smov.u32 @p2 s15  }
0x17: {  	s16 =	smov.u32 @p2 s3;
	p2 =	sgt.s32 s18, $0x3F  }
0x18: {  	s18 =	simm.s32 @p2 $0x0;
	p2 =	sne.s32 s13, s7  }
.Ltmp1:
0x19: {  	p0 =	por !p0, !p0;
	s17 =	simm.s32 @!p1 $0x2;
	(pc) =	sbr.rel @!p2 .LBB1_6-.Ltmp1, $4  }
0x1a: {  	s15 =	smov.u32 s9;
	s9 =	smov.u32 s11;
	s14 =	sand.u32 @!p1 $0x3FFFFFFF, s14  }
0x1b: {  	s11 =	smov.u32 s16;
	_ =	swait.ge @!p1 [sflag:s17], s14;
	s19 =	ssub.s32 @!p1 $0x0, s14  }
0x1c: {  	s14 =	smov.u32 s10;
	s13 =	sadd.s32 $0x1, s13;
	[sflag:s17] =	ssyncset.done @!p1 $0x0  }
0x1d: {  	s10 =	smov.u32 s12;
	s12 =	smov.u32 s18;
	[sflag:s17] =	ssyncadd.s32 @!p1 s19  }
.LBB1_1:
0x1e: {  	p1 =	sgt.u32 s13, s6  }
0x1f: {  	s16 =	sshrl.u32 @!p1 s12, $0x3  }
0x20: {  	s17 =	sshll.u32 @!p1 s11, $0x3;
	s16 =	smul.u32 @!p1 $0x7A1400, s16  }
0x21: {  	s18 =	sshll.u32 @!p1 s12, $0x7;
	s17 =	sand.u32 @!p1 $0xFFFFFC00, s17  }
0x22: {  	s16 =	sadd.s32 @!p1 s16, s17;
	s17 =	sand.u32 @!p1 $0x380, s18  }
0x23: {  	s18 =	sand.u32 @!p1 $0x7F, s11;
	s16 =	sor.u32 @!p1 s17, s16  }
0x24: {  	s17 =	sor.u32 @!p1 s18, s16  }
0x25: {  	s18 =	smulhi.u32 @!p1 $0x218D6287, s17;
	_ =	sdelay $0x1  }
0x26: {  	s16 =	smulhi.u32 @!p1 $0x218D6287, s16;
	s18 =	sshrl.u32 @!p1 s18, $0x11  }
0x27: {  	s18 =	smul.u32 @!p1 $0xF4280, s18  }
0x28: {  	s19 =	sxor.u32 @!p1 $0xFFFFFFFF, s13;
	s16 =	sshrl.u32 @!p1 s16, $0x11  }
0x29: {  	s19 =	sshll.u32 @!p1 s19, $0xD;
	s16 =	sand.u32 @!p1 $0x3F, s16;
	s17 =	ssub.s32 @!p1 s17, s18  }
0x2a: {  	s16 =	smul.u32 @!p1 $0x1E850, s16;
	s18 =	sshrl.u32 @!p1 s17, $0x3;
	s17 =	sand.u32 @!p1 $0x7, s17  }
0x2b: {  	s19 =	sand.u32 @!p1 $0x2000, s19;
	s18 =	sadd.s32 @!p1 s2, s18;
	s17 =	sshll.u32 @!p1 s17, $0x12  }
0x2c: {  	s16 =	sadd.s32 @!p1 s16, s18;
	s17 =	sor.u32 @!p1 $0x400, s17;
	s18 =	simm.s32 @!p1 $0x7A1400  }
0x2d: {  	[tilespmem:s19], [sflag:$0x1] =	stream.strided.gather @!p1 [hbm4b:s16+s17], $0x2000, s18, s17, $0x38;
	[tilespmem:$0x8100] =	vst v63  }
0x2e: {  	p1 =	seq.s32 s13, $0x0  }
0x2f: {  	p2 =	sge.u32 @!p1 s13, s7  }
0x30: {  	p1 =	por p1, p2  }
.Ltmp2:
0x31: {  	_ = 	snop;
	(pc) =	sbr.rel @p1 .LBB1_5-.Ltmp2, $1  }
0x32: {  	_ =	sdelay $0x3  }
0x33: {  	s16 =	simm.s32 $0x1  }
0x34: {  	_ =	swait.ge [sflag:s4], $0x2000;
	s16 =	simm.s32 @!p0 $0x0  }
0x35: {  	[sflag:s4] =	ssyncset.done $0x0;
	s17 =	sshll.u32 s16, $0xD  }
0x36: {  	[sflag:s4] =	ssyncadd.s32 $0xFFFFE000;
	s17 =	sor.u32 $0x40, s17  }
0x37: {  	s16 =	smul.u32 $0x8200, s16;
	v0 =	vld [tilespmem:s17+$0x30]  }
0x38: {  	v1 =	vld [tilespmem:s17+$0xFFFFFFD0]  }
0x39: {  	s16 =	sshrl.u32 s16, $0x2;
	v5 =	vld [tilespmem:s17+$0xFFFFFFE0]  }
0x3a: {  	v6 =	vld [tilespmem:s17+$0xFFFFFFF0];
	s19 =	sor.u32 $0x4000, s16  }
0x3b: {  	s31 =	sand.u32 $0x1, s13;
	v4 =	vld [tilespmem:s17+$0x0];
	s18 =	sadd.s32 $0x0, s19  }
0x3c: {  	v3 =	vld [tilespmem:s17+$0x10];
	s16 =	smul.u32 $0x8200, s31;
	[tilespmem:s18+$0x1C70 ss:$0x41] =	vst.msk $0xffff, v0  }
0x3d: {  	v2 =	vld [tilespmem:s17+$0x20];
	[tilespmem:s18+$0x410 ss:$0x41] =	vst.msk $0xffff, v1  }
0x3e: {  	s16 =	sshrl.u32 s16, $0x2;
	v1 =	vld [tilespmem:s17+$0xFFFFFFC0];
	[tilespmem:s18+$0x820 ss:$0x41] =	vst.msk $0xffff, v5;
	s17 =	sadd.s32 $0x80, s17  }
0x3f: {  	s20 =	simm.s32 $0x4;
	s21 =	simm.s32 $0x8;
	s16 =	sor.u32 $0x4000, s16;
	[tilespmem:s18+$0xC30 ss:$0x41] =	vst.msk $0xffff, v6;
	v0 =	vld [tilespmem:s17+$0x30]  }
.LBB1_3:
0x40: {  	p1 =	sne.s32 s21, $0xFC;
	v5 =	vld [tilespmem:s17+$0xFFFFFFD0];
	[tilespmem:s18+$0x1040 ss:$0x41] =	vst.msk $0xffff, v4  }
0x41: {  	v6 =	vld [tilespmem:s17+$0xFFFFFFE0];
	[tilespmem:s18+$0x1450 ss:$0x41] =	vst.msk $0xffff, v3  }
0x42: {  	s22 =	sshra.s32 s20, $0x2;
	s20 =	smov.u32 s21;
	v7 =	vld [tilespmem:s17+$0xFFFFFFF0];
	[tilespmem:s18+$0x1860 ss:$0x41] =	vst.msk $0xffff, v2  }
.Ltmp3:
0x43: {  	v4 =	vld [tilespmem:s17+$0x0];
	[tilespmem:s18+$0x0 ss:$0x41] =	vst.msk $0xffff, v1;
	s18 =	sadd.s32 s22, s19;
	(pc) =	sbr.rel @p1 .LBB1_3-.Ltmp3, $4  }
0x44: {  	v3 =	vld [tilespmem:s17+$0x10];
	[tilespmem:s18+$0x1C70 ss:$0x41] =	vst.msk $0xffff, v0  }
0x45: {  	[tilespmem:s18+$0x410 ss:$0x41] =	vst.msk $0xffff, v5;
	v2 =	vld [tilespmem:s17+$0x20]  }
0x46: {  	v1 =	vld [tilespmem:s17+$0xFFFFFFC0];
	[tilespmem:s18+$0x820 ss:$0x41] =	vst.msk $0xffff, v6;
	s17 =	sadd.s32 $0x80, s17  }
0x47: {  	s21 =	sadd.s32 $0x4, s21;
	v0 =	vld [tilespmem:s17+$0x30];
	[tilespmem:s18+$0xC30 ss:$0x41] =	vst.msk $0xffff, v7  }
0x48: {  	s21 =	sshll.u32 s9, $0x7;
	s22 =	sshll.u32 s10, $0x3;
	s20 =	sshra.s32 s20, $0x2  }
0x49: {  	p1 =	sgt.s32 s9, $0xF41C0;
	s30 =	sshra.s32 s9, $0x1F;
	s25 =	sshra.s32 s10, $0x1F  }
0x4a: {  	v5 =	vld [tilespmem:s17+$0xFFFFFFD0];
	s28 =	sshrl.u32 s10, $0x3;
	s23 =	sand.u32 $0xFFFFFC00, s21;
	s22 =	sand.u32 $0xFFFFFC00, s22  }
0x4b: {  	[tilespmem:s18+$0x1040 ss:$0x41] =	vst.msk $0xffff, v4;
	v58 =	vld [tilespmem:s17+$0xFFFFFFE0];
	s21 =	sand.u32 $0x380, s21;
	s19 =	sadd.s32 s20, s19;
	s22 =	sadd.s32 s22, s23  }
0x4c: {  	v59 =	vld [tilespmem:s17+$0xFFFFFFF0];
	[tilespmem:s18+$0x1450 ss:$0x41] =	vst.msk $0xffff, v3;
	s29 =	sor.u32 s21, s22;
	s21 =	smov.u32 s9;
	s22 =	sand.u32 s30, s9  }
0x4d: {  	v60 =	vld [tilespmem:s17+$0x0];
	[tilespmem:s18+$0x1860 ss:$0x41] =	vst.msk $0xffff, v2;
	s30 =	sand.u32 $0x7, s10;
	s20 =	sshrl.u32 s29, $0x7;
	s21 =	simm.s32 @!p1 $0xF41C0  }
0x4e: {  	v61 =	vld [tilespmem:s17+$0x10];
	[tilespmem:s18+$0x0 ss:$0x41] =	vst.msk $0xffff, v1;
	p1 =	sgt.s32 s10, $0x40;
	s24 =	ssub.s32 s21, s22;
	s21 =	smov.u32 s10  }
0x4f: {  	v62 =	vld [tilespmem:s17+$0x20];
	[tilespmem:s19+$0x1C70 ss:$0x41] =	vst.msk $0xffff, v0;
	s31 =	smulhi.u32 $0x218DEF5, s20;
	s22 =	sand.u32 s25, s10;
	s21 =	simm.s32 @!p1 $0x40  }
0x50: {  	v63 =	vld [tilespmem:s17+$0xFFFFFFC0];
	[tilespmem:s19+$0x410 ss:$0x41] =	vst.msk $0xffff, v5;
	s26 =	sadd.s32 $0xFFF0BE40, s24;
	s17 =	ssub.s32 $0xF4240, s24;
	s21 =	ssub.s32 s21, s22  }
0x51: {  	[tilespmem:s19+$0x820 ss:$0x41] =	vst.msk $0xffff, v58;
	s23 =	sshrl.u32 s31, $0xD;
	p1 =	sgt.s32 s26, $0x7F;
	s27 =	sadd.s32 $0xFFFFFFC0, s21  }
0x52: {  	[tilespmem:s19+$0xC30 ss:$0x41] =	vst.msk $0xffff, v59;
	s23 =	smul.u32 $0xF4240, s23;
	s18 =	ssub.s32 $0x80, s21;
	p2 =	sgt.s32 s27, $0x3F  }
.Ltmp4:
0x53: {  	[tilespmem:s19+$0x1040 ss:$0x41] =	vst.msk $0xffff, v60;
	s17 =	simm.s32 @p1 $0x0;
	s18 =	simm.s32 @p2 $0x0;
	(pc) =	sbr.rel .LBB1_5-.Ltmp4, $4  }
0x54: {  	s29 =	sand.u32 $0xF, s28;
	[tilespmem:s19+$0x1450 ss:$0x41] =	vst.msk $0xffff, v61;
	s20 =	ssub.s32 s20, s23;
	s17 =	smul.u32 s18, s17  }
0x55: {  	[tilespmem:s19+$0x1860 ss:$0x41] =	vst.msk $0xffff, v62;
	s21 =	sshll.u32 s30, $0x12;
	s20 =	sshll.u32 s20, $0x4;
	s18 =	sadd.s32 s5, s29  }
0x56: {  	[tilespmem:s19+$0x0 ss:$0x41] =	vst.msk $0xffff, v63;
	s31 =	sor.u32 $0x40, s21;
	s18 =	sadd.s32 s20, s18;
	s17 =	sand.u32 $0x3FFFFFFF, s17  }
0x57: {  	[hbm4b:s18+s31] =	stream.strided.scatter [tilespmem:s16], [sflag:$0x2], s17, s8, s31, $0x18;
	[tilespmem:$0x8100] =	vst v63  }
.LBB1_6:
0x58: {  	_ =	sfence.sel $0x180000  }
0x59: {  	s2 =	simm.s32 $0x1;
	[bflag:$0x0] =	sbarrier.arrive $0xFFFF  }
0x5a: {  	s31 =	simm.s32 $0x2;
	[sflag:s2] =	ssyncpa.u1 $0x1  }
0x5b: {  	[sflag:s31] =	ssyncpa.u1 $0x1  }
0x5c: {  	p0 =	sne.s32 s1, $0x0;
	_ =	strace $0x90000047  }
0x5d: {  	s0 =	sadd.s32 @!p0 $0x100000, s0;
	[bflag:$0x2] =	sbarrier.arrive $0xFFFF  }
0x5e: {  	[sflag:s0] =	ssyncadd.tile.s32 @!p0 $0x1;
	_ =	shalt  }
.Lfunc_end1:
_tile_overlayer_lowered:
.L_overlay_start_2:
0x5f: {  	(tag) =	ssettag $0x2  }
0x60: {  	s0 =	rddreg [dreg:$0x0];
	s2 =	stileid.u32  }
0x61: {  	s1 =	rddreg [dreg:$0x1];
	p0 =	sne.s32 s2, $0x0  }
0x62: {  	s3 =	rddreg [dreg:$0x2];
	[bflag:$0x3] =	sbarrier.arrive $0xFFFF;
	s2 =	simm.s32 @!p0 $0x1C01  }
0x63: {  	[timem:s3], [sflag:s2] =	dma.local @!p0 [hbm:s0], s1  }
0x64: {  	s0 =	simm.s32 @!p0 $0x1  }
0x65: {  	_ =	swait.ge @!p0 [sflag:s0], s1  }
0x66: {  	s1 =	ssub.s32 @!p0 $0x0, s1;
	[sflag:s0] =	ssyncset.done @!p0 $0x0  }
0x67: {  	[sflag:s0] =	ssyncadd.s32 @!p0 s1  }
0x68: {  	[bflag:$0x3] =	sbarrier.arrive $0xFFFF  }
0x69: {  	_ =	shalt  }

// kernel: sparse-core-data-format-call.cloned.1.call-start
scs
called_computation_lowered:
.L_overlay_start_0:
0x0: {  	s2 =	sld [smem:$0x3FD9]  }
0x1: {  	s3 =	sld [smem:$0x3FFE];
	_ =	sdelay $0x1  }
0x2: {  	s1 =	srdreg.scid  }
0x3: {  	s0 =	sand.u32 $0x1, s1  }
0x4: {  	s18 =	sshll.u32 s0, $0xA;
	s2 =	sadd.s32 s3, s2  }
0x5: {  	s2 =	sadd.s32 s2, s18  }
0x6: {  	[smem:$0x3FC5] =	sst s2  }
0x7: {  	_ = 	snop  }
0x8: {  	s2 =	sld [smem:$0x3FD0];
	(tm) =	ssettm $0x1  }
0x9: {  	s19 =	sld [smem:$0x3FFB];
	_ =	sdelay $0x3  }
0xa: {  	_ =	strace s19  }
0xb: {  	s3 =	sld [smem:$0x3FFC];
	_ =	sdelay $0x3  }
0xc: {  	_ =	strace s3  }
0xd: {  	s3 =	sld [smem:$0x3FFD];
	_ =	sdelay $0x3  }
0xe: {  	_ =	strace s3  }
0xf: {  	_ =	strace $0x8FFFFFFF  }
0x10: {  	s20 =	sld [smem:$0x3FDB];
	_ =	sdelay $0x1  }
0x11: {  	s4 =	simm.s32 $_scs_section_size  }
0x12: {  	s5 =	simm.s32 $_size__tile_overlayer_lowered;
	s6 =	simm.s32 $_tile_overlayer_lowered  }
0x13: {  	s23 =	simm.s32 $0x1BFF;
	s22 =	sshll.u32 s6, $0x1;
	s3 =	sadd.s32 s4, s20  }
0x14: {  	s7 =	simm.s32 $0x0;
	s21 =	sshll.u32 s5, $0x1;
	s5 =	sadd.s32 s22, s3  }
0x15: {  	[timem:s7], [sflag:s23] =	dma.local [hbm:s5], s21  }
0x16: {  	_ =	swait.ge [sflag:s23], s21  }
0x17: {  	s4 =	ssub.s32 $0x0, s21;
	[sflag:s23] =	ssyncset.done $0x0  }
0x18: {  	[sflag:s23] =	ssyncadd.s32 s4;
	_ =	sdelay $0x1  }
0x19: {  	s24 =	simm.s32 $0x1B8B  }
0x1a: {  	_ =	swait.ge [sflag:s24], $0x1  }
0x1b: {  	[sflag:s24] =	ssyncset.done $0x0  }
0x1c: {  	s26 =	simm.s32 $0x1B8E;
	s25 =	sld [smem:$0x3FFE];
	[sflag:s24] =	ssyncadd.s32 $0xFFFFFFFF  }
0x1d: {  	s27 =	simm.s32 $execute0_lowered;
	[smem:$0x3FD2] =	sst s26  }
0x1e: {  	s5 =	sshll.u32 s27, $0x1;
	_ =	strace $0x8000004C;
	[dreg:$0x1] =	wrdreg $0xFFFFFFFF  }
0x1f: {  	s28 =	simm.s32 $_size_execute0_lowered;
	s3 =	sadd.s32 s3, s5;
	[dreg:$0x0] =	wrdreg $0x0  }
0x20: {  	s5 =	sshll.u32 s28, $0x1;
	[dreg:$0x2] =	wrdreg s3  }
0x21: {  	[dreg:$0x3] =	wrdreg s5  }
0x22: {  	[dreg:$0x4] =	wrdreg $0xC0  }
0x23: {  	_ =	task [dreg:s7], $0x5FFFF  }
0x24: {  	[dreg:$0x1] =	wrdreg $0xFFFFFFFF  }
0x25: {  	[dreg:$0x0] =	wrdreg $0x60  }
0x26: {  	[dreg:$0x2] =	wrdreg s25  }
0x27: {  	[dreg:$0x3] =	wrdreg s2  }
0x28: {  	[dreg:$0x4] =	wrdreg $0x9  }
0x29: {  	_ =	task.clear_ibuf [dreg:s7], $0x5FFFF;
	_ =	strace $0x9000004C  }
0x2a: {  	s29 =	simm.s32 $0x9;
	_ =	strace $0x8000004E  }
0x2b: {  	_ =	swait.ge [sflag:s29], $0x1  }
0x2c: {  	[sflag:s29] =	ssyncadd.s32 $0xFFFFFFFF  }
0x2d: {  	_ =	strace $0x9000004E  }
0x2e: {  	_ =	sfence  }
0x2f: {  	s30 =	sld [smem:$0x0];
	_ =	sdelay $0x2  }
0x30: {  	s31 =	sshll.u32 s1, $0xD;
	s1 =	sshrl.u32 s1, $0x2  }
0x31: {  	s3 =	sand.u32 $0x4000, s31;
	s1 =	sadd.s32 s1, s30  }
0x32: {  	s0 =	sor.u32 s3, s0;
	s1 =	sshll.u32 s1, $0x11  }
0x33: {  	s0 =	sor.u32 s1, s0  }
0x34: {  	s0 =	sadd.s32 $0x8F2B, s0  }
0x35: {  	[sflag:s0] =	ssyncadd.remote.s32 $0x1  }
0x36: {  	_ =	sfence.sel $0xFFFF  }
0x37: {  	[dreg:$0x0] =	wrdreg $0xFFFFFFFF;
	(pc) =	sbr.abs _section_cstart, $3  }
0x38: {  	[dreg:$0x1] =	wrdreg $0xFFFFFFFF  }
0x39: {  	_ =	task.clear_ibuf [dreg:s7], $0x2FFFF;
	_ =	strace $0x9FFFFFFF  }
0x3a: {  	(tm) =	ssettm $0x7FFFFFFF  }
0x3b: {  	_ =	shalt  }
tec
execute0_lowered:
.L_overlay_start_1:
0x0: {  	(tag) =	ssettag $0x1  }
0x1: {  	s0 =	srdreg.scid  }
0x2: {  	s1 =	sshll.u32 s0, $0x4  }
0x3: {  	s0 =	stileid.u32;
	s1 =	sand.u32 $0x10, s1  }
0x4: {  	s1 =	sor.u32 s0, s1  }
0x5: {  	s6 =	rddreg [dreg:$0x0];
	s4 =	simm.s32 $0x1;
	s2 =	sshll.u32 s1, $0x7  }
0x6: {  	s7 =	simm.s32 $0x2;
	s12 =	simm.s32 $0x0;
	s1 =	ssub.s32 $0x1000, s2  }
0x7: {  	s8 =	simm.s32 $0x8000;
	s13 =	simm.s32 $0x0;
	s3 =	sand.u32 $0xF80, s1  }
0x8: {  	s9 =	simm.s32 $0x0;
	s5 =	sshrl.u32 s1, $0xC;
	p0 =	sne.s32 s3, $0x0  }
.Ltmp0:
0x9: {  	s1 =	rddreg [dreg:$0x2];
	s4 =	simm.s32 @!p0 $0x0;
	(pc) =	sbr.rel .LBB1_1-.Ltmp0, $4  }
0xa: {  	s11 =	simm.s32 $0x0;
	s3 =	rddreg [dreg:$0x1];
	s5 =	sadd.s32 s4, s5  }
0xb: {  	_ =	strace $0x8000004D;
	s4 =	simm.s32 $0x1;
	s5 =	smul.u32 $0x64, s5  }
0xc: {  	s6 =	sadd.s32 $0x1000, s6;
	s10 =	smov.u32 s2;
	[sflag:s4] =	ssyncpa.u1 $0x0  }
0xd: {  	p0 =	por $0x0, $0x0;
	[sflag:s7] =	ssyncpa.u1 $0x0;
	s7 =	sor.u32 $0x1, s5  }
.LBB1_4:
0xe: {  	v5 =	vld [tilespmem:s17+$0xFFFFFFD0];
	[tilespmem:s16+$0x2040 ss:$0x81] =	vst.msk $0xffff, v1  }
0xf: {  	v58 =	vld [tilespmem:s17+$0xFFFFFFE0];
	[tilespmem:s16+$0x2850 ss:$0x81] =	vst.msk $0xffff, v2  }
0x10: {  	s18 =	sshra.s32 s18, $0x2;
	v59 =	vld [tilespmem:s17+$0xFFFFFFF0];
	[tilespmem:s16+$0x3060 ss:$0x81] =	vst.msk $0xffff, v3  }
0x11: {  	v60 =	vld [tilespmem:s17+$0x0];
	[tilespmem:s16+$0x0 ss:$0x81] =	vst.msk $0xffff, v0;
	s15 =	sadd.s32 s18, s15  }
0x12: {  	v61 =	vld [tilespmem:s17+$0x10];
	[tilespmem:s15+$0x3870 ss:$0x81] =	vst.msk $0xffff, v4  }
0x13: {  	v62 =	vld [tilespmem:s17+$0x20];
	[tilespmem:s15+$0x810 ss:$0x81] =	vst.msk $0xffff, v5  }
0x14: {  	v63 =	vld [tilespmem:s17+$0xFFFFFFC0];
	[tilespmem:s15+$0x1020 ss:$0x81] =	vst.msk $0xffff, v58  }
0x15: {  	s28 =	sshll.u32 s13, $0x3;
	s29 =	sand.u32 $0x78, s13;
	[tilespmem:s15+$0x1830 ss:$0x81] =	vst.msk $0xffff, v59  }
0x16: {  	s30 =	sand.u32 $0xFE00, s13;
	s12 =	sshll.u32 s12, $0x10;
	s16 =	sand.u32 $0xC00, s28;
	[tilespmem:s15+$0x2040 ss:$0x81] =	vst.msk $0xffff, v60  }
0x17: {  	s31 =	sand.u32 $0x7, s13;
	s17 =	sadd.s32 s3, s30;
	s16 =	sor.u32 s29, s16;
	[tilespmem:s15+$0x2850 ss:$0x81] =	vst.msk $0xffff, v61  }
0x18: {  	s13 =	sshll.u32 s31, $0x12;
	s12 =	sadd.s32 s12, s17;
	s16 =	sshrl.u32 s16, $0x3;
	[tilespmem:s15+$0x3060 ss:$0x81] =	vst.msk $0xffff, v62  }
0x19: {  	s13 =	sor.u32 $0x400, s13;
	s12 =	sadd.s32 s16, s12;
	[tilespmem:s15+$0x0 ss:$0x81] =	vst.msk $0xffff, v63  }
0x1a: {  	[hbm4b:s12+s13] =	stream.strided.scatter [tilespmem:s14], [sflag:$0x2], $0x4000, s8, s13, $0x20;
	[tilespmem:$0x10100] =	vst v63  }
.LBB1_5:
0x1b: {  	s14 =	sadd.s32 $0x1, s9  }
0x1c: {  	s12 =	sadd.s32 $0x1000, s10;
	s16 =	smov.u32 s10;
	p2 =	sgt.s32 s14, $0x63  }
0x1d: {  	s16 =	smov.u32 @p2 s12  }
0x1e: {  	s14 =	simm.s32 @p2 $0x0;
	p2 =	sgt.s32 s16, $0xFFF  }
0x1f: {  	s16 =	smov.u32 @p2 s2;
	p2 =	sne.s32 s11, s7  }
.Ltmp1:
0x20: {  	p1 =	slt.u32 s11, $0x2;
	(pc) =	sbr.rel @!p2 .LBB1_6-.Ltmp1, $4  }
0x21: {  	s15 =	simm.s32 @!p1 $0x2  }
0x22: {  	s13 =	smov.u32 s10;
	p0 =	por !p0, !p0;
	_ =	swait.ge @!p1 [sflag:s15], $0x4000  }
0x23: {  	s12 =	smov.u32 s9;
	[sflag:s15] =	ssyncset.done @!p1 $0x0;
	s9 =	smov.u32 s14  }
0x24: {  	s11 =	sadd.s32 $0x1, s11;
	[sflag:s15] =	ssyncadd.s32 @!p1 $0xFFFFC000;
	s10 =	smov.u32 s16  }
.LBB1_1:
0x25: {  	p1 =	sge.u32 s11, s5  }
0x26: {  	s14 =	sand.u32 @!p1 $0x1FFFFFF, s9  }
0x27: {  	s15 =	smulhi.u32 @!p1 $0x2762763, s14;
	_ =	sdelay $0x1  }
0x28: {  	s15 =	smul.u32 @!p1 $0x68, s15  }
0x29: {  	s16 =	sxor.u32 @!p1 $0xFFFFFFFF, s11;
	s17 =	smul.u32 @!p1 $0x680, s10  }
0x2a: {  	s31 =	sadd.s32 $0xFFFFFFFF, s11;
	s16 =	sshll.u32 @!p1 s16, $0xE;
	s14 =	ssub.s32 @!p1 s14, s15  }
0x2b: {  	s15 =	sand.u32 @!p1 $0x4000, s16;
	s16 =	sadd.s32 @!p1 s6, s17;
	s14 =	sshll.u32 @!p1 s14, $0x4  }
0x2c: {  	s17 =	simm.s32 @!p1 $0x3400;
	s14 =	sadd.s32 @!p1 s14, s16;
	s16 =	simm.s32 @!p1 $0x80  }
0x2d: {  	[tilespmem:s15], [sflag:$0x1] =	stream.strided.gather @!p1 [hbm4b:s14+s16], $0x4000, s17, s16, $0x38;
	[tilespmem:$0x10100] =	vst v63  }
0x2e: {  	p1 =	sge.u32 s31, s5  }
.Ltmp2:
0x2f: {  	_ = 	snop;
	(pc) =	sbr.rel @p1 .LBB1_5-.Ltmp2, $1  }
0x30: {  	_ =	sdelay $0x3  }
0x31: {  	s14 =	simm.s32 $0x1  }
0x32: {  	_ =	swait.ge [sflag:s4], $0x4000;
	s14 =	simm.s32 @!p0 $0x0  }
0x33: {  	[sflag:s4] =	ssyncset.done $0x0;
	s15 =	sshll.u32 s14, $0xE  }
0x34: {  	[sflag:s4] =	ssyncadd.s32 $0xFFFFC000;
	s17 =	sor.u32 $0x40, s15  }
0x35: {  	s14 =	smul.u32 $0x10200, s14;
	v0 =	vld [tilespmem:s17+$0x30]  }
0x36: {  	v3 =	vld [tilespmem:s17+$0xFFFFFFD0]  }
0x37: {  	s14 =	sshrl.u32 s14, $0x2;
	v4 =	vld [tilespmem:s17+$0xFFFFFFE0]  }
0x38: {  	v5 =	vld [tilespmem:s17+$0xFFFFFFF0];
	s15 =	sor.u32 $0x8000, s14  }
0x39: {  	s31 =	sand.u32 $0x1, s11;
	v1 =	vld [tilespmem:s17+$0x0];
	s16 =	sadd.s32 $0x0, s15  }
0x3a: {  	v2 =	vld [tilespmem:s17+$0x10];
	s14 =	smul.u32 $0x10200, s31;
	[tilespmem:s16+$0x3870 ss:$0x81] =	vst.msk $0xffff, v0  }
0x3b: {  	[tilespmem:s16+$0x810 ss:$0x81] =	vst.msk $0xffff, v3;
	v3 =	vld [tilespmem:s17+$0x20]  }
0x3c: {  	s14 =	sshrl.u32 s14, $0x2;
	v0 =	vld [tilespmem:s17+$0xFFFFFFC0];
	[tilespmem:s16+$0x1020 ss:$0x81] =	vst.msk $0xffff, v4;
	s17 =	sadd.s32 $0x80, s17  }
0x3d: {  	s18 =	simm.s32 $0x4;
	s19 =	simm.s32 $0x8;
	s14 =	sor.u32 $0x8000, s14;
	[tilespmem:s16+$0x1830 ss:$0x81] =	vst.msk $0xffff, v5;
	v4 =	vld [tilespmem:s17+$0x30]  }
.LBB1_3:
0x3e: {  	p1 =	sne.s32 s19, $0x1FC;
	v5 =	vld [tilespmem:s17+$0xFFFFFFD0];
	[tilespmem:s16+$0x2040 ss:$0x81] =	vst.msk $0xffff, v1  }
0x3f: {  	v6 =	vld [tilespmem:s17+$0xFFFFFFE0];
	[tilespmem:s16+$0x2850 ss:$0x81] =	vst.msk $0xffff, v2  }
0x40: {  	s20 =	sshra.s32 s18, $0x2;
	s18 =	smov.u32 s19;
	v7 =	vld [tilespmem:s17+$0xFFFFFFF0];
	[tilespmem:s16+$0x3060 ss:$0x81] =	vst.msk $0xffff, v3  }
.Ltmp3:
0x41: {  	v1 =	vld [tilespmem:s17+$0x0];
	[tilespmem:s16+$0x0 ss:$0x81] =	vst.msk $0xffff, v0;
	s16 =	sadd.s32 s20, s15;
	(pc) =	sbr.rel @p1 .LBB1_3-.Ltmp3, $4  }
0x42: {  	v2 =	vld [tilespmem:s17+$0x10];
	[tilespmem:s16+$0x3870 ss:$0x81] =	vst.msk $0xffff, v4  }
0x43: {  	[tilespmem:s16+$0x810 ss:$0x81] =	vst.msk $0xffff, v5;
	v3 =	vld [tilespmem:s17+$0x20]  }
0x44: {  	v0 =	vld [tilespmem:s17+$0xFFFFFFC0];
	[tilespmem:s16+$0x1020 ss:$0x81] =	vst.msk $0xffff, v6;
	s17 =	sadd.s32 $0x80, s17  }
0x45: {  	s19 =	sadd.s32 $0x4, s19;
	v4 =	vld [tilespmem:s17+$0x30];
	[tilespmem:s16+$0x1830 ss:$0x81] =	vst.msk $0xffff, v7  }
.Ltmp4:
0x46: {  	_ = 	snop;
	(pc) =	sbr.rel .LBB1_4-.Ltmp4, $1  }
0x47: {  	_ =	sdelay $0x3  }
.LBB1_6:
0x48: {  	_ =	sfence.sel $0x180000  }
0x49: {  	s2 =	simm.s32 $0x1;
	[bflag:$0x0] =	sbarrier.arrive $0xFFFF  }
0x4a: {  	s31 =	simm.s32 $0x2;
	[sflag:s2] =	ssyncpa.u1 $0x1  }
0x4b: {  	[sflag:s31] =	ssyncpa.u1 $0x1  }
0x4c: {  	p0 =	sne.s32 s0, $0x0;
	_ =	strace $0x9000004D  }
0x4d: {  	s0 =	sadd.s32 @!p0 $0x100000, s1;
	[bflag:$0x2] =	sbarrier.arrive $0xFFFF  }
0x4e: {  	[sflag:s0] =	ssyncadd.tile.s32 @!p0 $0x1;
	_ =	shalt  }
.Lfunc_end1:
_tile_overlayer_lowered:
.L_overlay_start_2:
0x4f: {  	(tag) =	ssettag $0x2  }
0x50: {  	s0 =	rddreg [dreg:$0x0];
	s2 =	stileid.u32  }
0x51: {  	s1 =	rddreg [dreg:$0x1];
	p0 =	sne.s32 s2, $0x0  }
0x52: {  	s3 =	rddreg [dreg:$0x2];
	[bflag:$0x3] =	sbarrier.arrive $0xFFFF;
	s2 =	simm.s32 @!p0 $0x1C01  }
0x53: {  	[timem:s3], [sflag:s2] =	dma.local @!p0 [hbm:s0], s1  }
0x54: {  	s0 =	simm.s32 @!p0 $0x1  }
0x55: {  	_ =	swait.ge @!p0 [sflag:s0], s1  }
0x56: {  	s1 =	ssub.s32 @!p0 $0x0, s1;
	[sflag:s0] =	ssyncset.done @!p0 $0x0  }
0x57: {  	[sflag:s0] =	ssyncadd.s32 @!p0 s1  }
0x58: {  	[bflag:$0x3] =	sbarrier.arrive $0xFFFF  }
0x59: {  	_ =	shalt  }

</sc_bundles>
